<compile_context>
chip_gen: v7x
topology: tpu7x:2x2x1
jax: 0.10.2.dev20260603
libtpu: 0.0.44.dev20260713+nightly
codegen_flags: <defaults>
</compile_context>

<pallas_src>
import functools

import jax
import jax.numpy as jnp
from jax import lax
from jax.experimental import pallas as pl
from jax.experimental.pallas import tpu as pltpu
from jax.experimental.pallas import tpu_sc as plsc

_NUM_WORKERS = 32
_NB = 4096


def _csum_tree(x):
    acc = x[..., 0:8, :]
    for r in range(1, 16):
        acc = acc + x[..., 8 * r:8 * r + 8, :]
    t = [acc[..., s:s + 1, :] for s in range(8)]
    u = [t[s] + t[(s + 4) % 8] for s in range(8)]
    v = [u[s] + u[(s + 2) % 8] for s in range(8)]
    return v[0] + v[1]


def _sums_tc(fxT, fyT):
    b, d, c, n = fxT.shape

    def body(fx_ref, fy_ref, sx_ref, sy_ref):
        sx_ref[0] = _csum_tree(fx_ref[0])[:, 0, :]
        sy_ref[0] = _csum_tree(fy_ref[0])[:, 0, :]

    return pl.pallas_call(
        body,
        grid=(b, n // _NB),
        in_specs=[
            pl.BlockSpec((1, d, c, _NB), lambda i, j: (i, 0, 0, j)),
            pl.BlockSpec((1, d, c, _NB), lambda i, j: (i, 0, 0, j)),
        ],
        out_specs=[
            pl.BlockSpec((1, d, _NB), lambda i, j: (i, 0, j)),
            pl.BlockSpec((1, d, _NB), lambda i, j: (i, 0, j)),
        ],
        out_shape=[
            jax.ShapeDtypeStruct((b, d, n), jnp.float32),
            jax.ShapeDtypeStruct((b, d, n), jnp.float32),
        ],
    )(fxT, fyT)


def _logits_tc(fxT, fyT, px, py):
    b, d, c, n = fxT.shape

    def body(fx_ref, fy_ref, px_ref, py_ref, out_ref):
        x = fx_ref[0]
        y = fy_ref[0]
        pxv = px_ref[0]
        pyv = py_ref[0]
        phx = (x[0] * pxv[0:1, :] + x[1] * pxv[1:2, :]) + x[2] * pxv[2:3, :]
        phy = (y[0] * pyv[0:1, :] + y[1] * pyv[1:2, :]) + y[2] * pyv[2:3, :]
        prod = phx * phy
        out_ref[0, 0] = _csum_tree(prod)[0]

    out = pl.pallas_call(
        body,
        grid=(b, n // _NB),
        in_specs=[
            pl.BlockSpec((1, d, c, _NB), lambda i, j: (i, 0, 0, j)),
            pl.BlockSpec((1, d, c, _NB), lambda i, j: (i, 0, 0, j)),
            pl.BlockSpec((1, d, _NB), lambda i, j: (i, 0, j)),
            pl.BlockSpec((1, d, _NB), lambda i, j: (i, 0, j)),
        ],
        out_specs=pl.BlockSpec((1, 1, _NB), lambda i, j: (i, 0, j)),
        out_shape=jax.ShapeDtypeStruct((b, 1, n), jnp.float32),
    )(fxT, fyT, px, py)
    return out.reshape(b, n)


def _gather_rows_sc(fx_rows, fy_rows, idx):
    R, N = fx_rows.shape
    B, K = idx.shape
    rows_per_w = R // _NUM_WORKERS
    rows_per_b = R // B
    mesh = plsc.VectorSubcoreMesh(core_axis_name="c", subcore_axis_name="s")

    @functools.partial(
        pl.kernel,
        out_type=(
            jax.ShapeDtypeStruct((R, K), jnp.float32),
            jax.ShapeDtypeStruct((R, K), jnp.float32),
        ),
        mesh=mesh,
        compiler_params=pltpu.CompilerParams(needs_layout_passes=False),
        scratch_types=[
            pltpu.VMEM((K,), jnp.int32),
            pltpu.VMEM((N,), jnp.float32),
            pltpu.VMEM((N,), jnp.float32),
            pltpu.VMEM((N,), jnp.float32),
            pltpu.VMEM((N,), jnp.float32),
            pltpu.VMEM((K,), jnp.float32),
            pltpu.VMEM((K,), jnp.float32),
            pltpu.SemaphoreType.DMA,
            pltpu.SemaphoreType.DMA,
            pltpu.SemaphoreType.DMA,
        ],
    )
    def sc_gather(fx_hbm, fy_hbm, idx_hbm, ox_hbm, oy_hbm,
                  idx_v, row0, row1, row2, row3, out0, out1,
                  sem_in, sem_out0, sem_out1):
        rows = (row0, row1, row2, row3)
        outs = (out0, out1)
        sems_out = (sem_out0, sem_out1)
        wid = lax.axis_index("s") * 2 + lax.axis_index("c")
        base = wid * rows_per_w
        b = base // rows_per_b
        pltpu.sync_copy(idx_hbm.at[b], idx_v)

        def gather_row(row_ref, out_ref):
            def g_body(j, _):
                iv = idx_v[pl.ds(j * 16, 16)]
                out_ref[pl.ds(j * 16, 16)] = plsc.load_gather(row_ref, [iv])
                return 0
            lax.fori_loop(0, K // 16, g_body, 0, unroll=8)

        for src_hbm, dst_hbm in ((fx_hbm, ox_hbm), (fy_hbm, oy_hbm)):
            for q in range(3):
                pltpu.async_copy(src_hbm.at[base + q], rows[q], sem_in)

            def quad(p, _, src_hbm=src_hbm, dst_hbm=dst_hbm):
                r0 = base + 4 * p
                for q in range(4):
                    r = r0 + q
                    pltpu.make_async_copy(
                        src_hbm.at[base], rows[q], sem_in).wait()
                    oslot = q % 2

                    @pl.when(4 * p + q >= 2)
                    def _():
                        pltpu.make_async_copy(
                            outs[oslot], dst_hbm.at[r0], sems_out[oslot]).wait()

                    gather_row(rows[q], outs[oslot])
                    pltpu.async_copy(outs[oslot], dst_hbm.at[r], sems_out[oslot])

                    @pl.when(4 * p + q + 3 < rows_per_w)
                    def _():
                        pltpu.async_copy(
                            src_hbm.at[r + 3], rows[(q + 3) % 4], sem_in)
                return 0

            lax.fori_loop(0, rows_per_w // 4, quad, 0)
            pltpu.make_async_copy(outs[0], dst_hbm.at[base], sems_out[0]).wait()
            pltpu.make_async_copy(outs[1], dst_hbm.at[base], sems_out[1]).wait()

    return sc_gather(fx_rows, fy_rows, idx)


def _scores_fused_tc(fxT, fyT):
    b, d, c, n = fxT.shape

    def body(fx_ref, fy_ref, out_ref):
        x = fx_ref[0]
        y = fy_ref[0]
        inv = jnp.float32(1.0 / c)
        mx = _csum_tree(x)[:, 0, :] * inv
        my = _csum_tree(y)[:, 0, :] * inv
        nx = jnp.sqrt((mx[0:1] * mx[0:1] + mx[2:3] * mx[2:3])
                      + mx[1:2] * mx[1:2]) + jnp.float32(1e-6)
        ny = jnp.sqrt((my[0:1] * my[0:1] + my[2:3] * my[2:3])
                      + my[1:2] * my[1:2]) + jnp.float32(1e-6)
        pxv = mx / nx
        pyv = my / ny
        phx = (x[0] * pxv[0:1, :] + x[1] * pxv[1:2, :]) + x[2] * pxv[2:3, :]
        phy = (y[0] * pyv[0:1, :] + y[1] * pyv[1:2, :]) + y[2] * pyv[2:3, :]
        out_ref[0, 0] = _csum_tree(phx * phy)[0]

    out = pl.pallas_call(
        body,
        grid=(b, n // _NB),
        in_specs=[
            pl.BlockSpec((1, d, c, _NB), lambda i, j: (i, 0, 0, j)),
            pl.BlockSpec((1, d, c, _NB), lambda i, j: (i, 0, 0, j)),
        ],
        out_specs=pl.BlockSpec((1, 1, _NB), lambda i, j: (i, 0, j)),
        out_shape=jax.ShapeDtypeStruct((b, 1, n), jnp.float32),
    )(fxT, fyT)
    return out.reshape(b, n)


def kernel(fx, fy, topk):
    b, c, d, n = fx.shape
    fxT = jnp.transpose(fx, (0, 2, 1, 3))
    fyT = jnp.transpose(fy, (0, 2, 1, 3))

    logits = _scores_fused_tc(fxT, fyT)
    Sc = jax.nn.softmax(logits, axis=-1)
    k = n // 4
    _, idx = jax.lax.top_k(Sc, k)

    fx_rows = fxT.reshape(b * c * d, n)
    fy_rows = fyT.reshape(b * c * d, n)
    ox, oy = _gather_rows_sc(fx_rows, fy_rows, idx.astype(jnp.int32))
    ox = ox.reshape(b, d, c, k).transpose(0, 2, 1, 3)
    oy = oy.reshape(b, d, c, k).transpose(0, 2, 1, 3)
    return ox, oy

# --- scband reference (transcript-rebuilt; emitter-appended) ---
"""Pipeline reference for scband-invariant-mapping-46308337385516 (READ-ONLY COPY).

The authoritative reference and input builder live on the scoring server;
editing this copy changes nothing except your own understanding.
"""

import jax, jax.numpy as jnp
import numpy as np


def setup_inputs(seed: int = 0) -> dict:
    key = jax.random.key(seed)
    k1, k2 = jax.random.split(key)
    fx = jax.random.normal(k1, (4, 128, 3, 16384), dtype=jnp.float32)
    fy = jax.random.normal(k2, (4, 128, 3, 16384), dtype=jnp.float32)
    return {"fx": fx, "fy": fy, "topk": 4}


def reference(fx, fy, topk):
    # fx, fy: [b, c, d=3, n]
    fx_mean = jnp.mean(fx, axis=1)  # [b, d, n]
    fy_mean = jnp.mean(fy, axis=1)  # [b, d, n]
    fx_par = fx_mean / (jnp.linalg.norm(fx_mean, axis=1)[:, None, :] + 1e-06)  # [b, d, n]
    fy_par = fy_mean / (jnp.linalg.norm(fy_mean, axis=1)[:, None, :] + 1e-06)  # [b, d, n]
    phi_x = jnp.einsum('bcdn,bdn->bnc', fx, fx_par)  # [b, n, c]
    phi_y = jnp.einsum('bcdn,bdn->bnc', fy, fy_par)  # [b, n, c]
    Sc = jax.nn.softmax(jnp.einsum('bnc,bnc->bn', phi_x, phi_y), axis=-1)  # [b, n]
    b, c, d, n = fx.shape
    k = Sc.shape[1] // 4
    _, idx = jax.lax.top_k(Sc, k)  # [b, k]
    idx = idx + topk * 0
    idx_full = jnp.broadcast_to(idx[:, None, None, :], (b, c, d, k))
    fx_out = jnp.take_along_axis(fx, idx_full, axis=-1)  # [b, c, d, k]
    fy_out = jnp.take_along_axis(fy, idx_full, axis=-1)  # [b, c, d, k]
    return (fx_out, fy_out)

if __name__ == "__main__":
    import jax
    _d = setup_inputs()
    print(jax.jit(kernel)(*tuple(_d.values())))

</pallas_src>

<mosaic_0001>
#map = affine_map<(d0, d1) -> (0, 0)>
module attributes {stable_mosaic.version = 14 : i64} {
  func.func @sc_gather(%arg0: i32, %arg1: i32, %arg2: memref<1536x16384xf32, #tpu.memory_space<hbm>>, %arg3: memref<1536x16384xf32, #tpu.memory_space<hbm>>, %arg4: memref<4x4096xi32, #tpu.memory_space<hbm>>, %arg5: memref<1536x4096xf32, #tpu.memory_space<hbm>>, %arg6: memref<1536x4096xf32, #tpu.memory_space<hbm>>, %arg7: memref<4096xi32, #tpu.memory_space<vmem>>, %arg8: memref<16384xf32, #tpu.memory_space<vmem>>, %arg9: memref<16384xf32, #tpu.memory_space<vmem>>, %arg10: memref<16384xf32, #tpu.memory_space<vmem>>, %arg11: memref<16384xf32, #tpu.memory_space<vmem>>, %arg12: memref<4096xf32, #tpu.memory_space<vmem>>, %arg13: memref<4096xf32, #tpu.memory_space<vmem>>, %arg14: memref<!tpu.dma_semaphore, #tpu.memory_space<semaphore_mem>>, %arg15: memref<!tpu.dma_semaphore, #tpu.memory_space<semaphore_mem>>, %arg16: memref<!tpu.dma_semaphore, #tpu.memory_space<semaphore_mem>>) attributes {dimension_semantics = [#tpu.dimension_semantics<core_parallel>, #tpu.dimension_semantics<subcore_parallel>], iteration_bounds = array<i64: 2, 16>, scalar_prefetch = 0 : i64, scratch_operands = 10 : i64, tpu.core_type = #tpu.core_type<sc_vector_subcore>, window_params = [{transform_indices = #map}, {transform_indices = #map}, {transform_indices = #map}, {transform_indices = #map}, {transform_indices = #map}]} {
    %mul3A = arith.constant 2 : i32
    %mul3A_0 = arith.muli %arg1, %mul3A : i32
    %add3A = arith.addi %mul3A_0, %arg0 : i32
    %mul3A_1 = arith.constant 48 : i32
    %mul3A_2 = arith.muli %add3A, %mul3A_1 : i32
    %jit3A = arith.constant 384 : i32
    %div3A = arith.divsi %mul3A_2, %jit3A : i32
    %sign3A = arith.constant 0 : i32
    %sign3A_3 = arith.cmpi sgt, %mul3A_2, %sign3A : i32
    %sign3A_4 = arith.extui %sign3A_3 : i1 to i32
    %sign3A_5 = arith.constant 0 : i32
    %sign3A_6 = arith.cmpi slt, %mul3A_2, %sign3A_5 : i32
    %sign3A_7 = arith.extui %sign3A_6 : i1 to i32
    %sign3A_8 = arith.subi %sign3A_4, %sign3A_7 : i32
    %sign3A_9 = arith.constant 0 : i32
    %sign3A_10 = arith.cmpi sgt, %jit3A, %sign3A_9 : i32
    %sign3A_11 = arith.extui %sign3A_10 : i1 to i32
    %sign3A_12 = arith.constant 0 : i32
    %sign3A_13 = arith.cmpi slt, %jit3A, %sign3A_12 : i32
    %sign3A_14 = arith.extui %sign3A_13 : i1 to i32
    %sign3A_15 = arith.subi %sign3A_11, %sign3A_14 : i32
    %ne3A = arith.cmpi ne, %sign3A_8, %sign3A_15 : i32
    %rem3A = arith.remsi %mul3A_2, %jit3A : i32
    %ne3A_16 = arith.constant 0 : i32
    %ne3A_17 = arith.cmpi ne, %rem3A, %ne3A_16 : i32
    %and3A = arith.andi %ne3A, %ne3A_17 : i1
    %sub3A = arith.constant 1 : i32
    %sub3A_18 = arith.subi %div3A, %sub3A : i32
    %select_n3A = arith.select %and3A, %sub3A_18, %div3A : i32
    "tpu.region"() ({
      %run_scoped3A = tpu.sem_alloc : memref<!tpu.dma_semaphore, #tpu.memory_space<semaphore_mem>>
      %dma_start3A_102 = arith.constant 0 : i32
      %dma_start3A_103 = tpu.memref_slice %arg4[%select_n3A, %dma_start3A_102] : memref<4x4096xi32, #tpu.memory_space<hbm>> -> memref<1x4096xi32, #tpu.memory_space<hbm>>
      %dma_start3A_104 = tpu.memref_squeeze %dma_start3A_103 : memref<1x4096xi32, #tpu.memory_space<hbm>> -> memref<4096xi32, #tpu.memory_space<hbm>>
      %dma_start3A_105 = arith.constant 0 : i32
      %dma_start3A_106 = tpu.memref_slice %arg4[%select_n3A, %dma_start3A_105] : memref<4x4096xi32, #tpu.memory_space<hbm>> -> memref<1x4096xi32, #tpu.memory_space<hbm>>
      %dma_start3A_107 = tpu.memref_squeeze %dma_start3A_106 : memref<1x4096xi32, #tpu.memory_space<hbm>> -> memref<4096xi32, #tpu.memory_space<hbm>>
      tpu.enqueue_dma source(%dma_start3A_107 : memref<4096xi32, #tpu.memory_space<hbm>>) target(%arg7 : memref<4096xi32, #tpu.memory_space<vmem>>) target_semaphore(%run_scoped3A : memref<!tpu.dma_semaphore, #tpu.memory_space<semaphore_mem>>)
      %dma_wait3A_108 = arith.constant 0 : i32
      %dma_wait3A_109 = tpu.memref_slice %arg4[%select_n3A, %dma_wait3A_108] : memref<4x4096xi32, #tpu.memory_space<hbm>> -> memref<1x4096xi32, #tpu.memory_space<hbm>>
      %dma_wait3A_110 = tpu.memref_squeeze %dma_wait3A_109 : memref<1x4096xi32, #tpu.memory_space<hbm>> -> memref<4096xi32, #tpu.memory_space<hbm>>
      %dma_wait3A_111 = arith.constant 0 : i32
      %dma_wait3A_112 = tpu.memref_slice %arg4[%select_n3A, %dma_wait3A_111] : memref<4x4096xi32, #tpu.memory_space<hbm>> -> memref<1x4096xi32, #tpu.memory_space<hbm>>
      %dma_wait3A_113 = tpu.memref_squeeze %dma_wait3A_112 : memref<1x4096xi32, #tpu.memory_space<hbm>> -> memref<4096xi32, #tpu.memory_space<hbm>>
      tpu.wait_dma2 semaphore(%run_scoped3A : memref<!tpu.dma_semaphore, #tpu.memory_space<semaphore_mem>>) src(%dma_wait3A_113 : memref<4096xi32, #tpu.memory_space<hbm>>) dst(%arg7 : memref<4096xi32, #tpu.memory_space<vmem>>)
      tpu.yield
    }) : () -> ()
    %add3A_19 = arith.constant 0 : i32
    %add3A_20 = arith.addi %mul3A_2, %add3A_19 : i32
    %dma_start3A = arith.constant 0 : i32
    %dma_start3A_21 = tpu.memref_slice %arg2[%add3A_20, %dma_start3A] : memref<1536x16384xf32, #tpu.memory_space<hbm>> -> memref<1x16384xf32, #tpu.memory_space<hbm>>
    %dma_start3A_22 = tpu.memref_squeeze %dma_start3A_21 : memref<1x16384xf32, #tpu.memory_space<hbm>> -> memref<16384xf32, #tpu.memory_space<hbm>>
    %dma_start3A_23 = arith.constant 0 : i32
    %dma_start3A_24 = tpu.memref_slice %arg2[%add3A_20, %dma_start3A_23] : memref<1536x16384xf32, #tpu.memory_space<hbm>> -> memref<1x16384xf32, #tpu.memory_space<hbm>>
    %dma_start3A_25 = tpu.memref_squeeze %dma_start3A_24 : memref<1x16384xf32, #tpu.memory_space<hbm>> -> memref<16384xf32, #tpu.memory_space<hbm>>
    tpu.enqueue_dma source(%dma_start3A_25 : memref<16384xf32, #tpu.memory_space<hbm>>) target(%arg8 : memref<16384xf32, #tpu.memory_space<vmem>>) target_semaphore(%arg14 : memref<!tpu.dma_semaphore, #tpu.memory_space<semaphore_mem>>)
    %add3A_26 = arith.constant 1 : i32
    %add3A_27 = arith.addi %mul3A_2, %add3A_26 : i32
    %dma_start3A_28 = arith.constant 0 : i32
    %dma_start3A_29 = tpu.memref_slice %arg2[%add3A_27, %dma_start3A_28] : memref<1536x16384xf32, #tpu.memory_space<hbm>> -> memref<1x16384xf32, #tpu.memory_space<hbm>>
    %dma_start3A_30 = tpu.memref_squeeze %dma_start3A_29 : memref<1x16384xf32, #tpu.memory_space<hbm>> -> memref<16384xf32, #tpu.memory_space<hbm>>
    %dma_start3A_31 = arith.constant 0 : i32
    %dma_start3A_32 = tpu.memref_slice %arg2[%add3A_27, %dma_start3A_31] : memref<1536x16384xf32, #tpu.memory_space<hbm>> -> memref<1x16384xf32, #tpu.memory_space<hbm>>
    %dma_start3A_33 = tpu.memref_squeeze %dma_start3A_32 : memref<1x16384xf32, #tpu.memory_space<hbm>> -> memref<16384xf32, #tpu.memory_space<hbm>>
    tpu.enqueue_dma source(%dma_start3A_33 : memref<16384xf32, #tpu.memory_space<hbm>>) target(%arg9 : memref<16384xf32, #tpu.memory_space<vmem>>) target_semaphore(%arg14 : memref<!tpu.dma_semaphore, #tpu.memory_space<semaphore_mem>>)
    %add3A_34 = arith.constant 2 : i32
    %add3A_35 = arith.addi %mul3A_2, %add3A_34 : i32
    %dma_start3A_36 = arith.constant 0 : i32
    %dma_start3A_37 = tpu.memref_slice %arg2[%add3A_35, %dma_start3A_36] : memref<1536x16384xf32, #tpu.memory_space<hbm>> -> memref<1x16384xf32, #tpu.memory_space<hbm>>
    %dma_start3A_38 = tpu.memref_squeeze %dma_start3A_37 : memref<1x16384xf32, #tpu.memory_space<hbm>> -> memref<16384xf32, #tpu.memory_space<hbm>>
    %dma_start3A_39 = arith.constant 0 : i32
    %dma_start3A_40 = tpu.memref_slice %arg2[%add3A_35, %dma_start3A_39] : memref<1536x16384xf32, #tpu.memory_space<hbm>> -> memref<1x16384xf32, #tpu.memory_space<hbm>>
    %dma_start3A_41 = tpu.memref_squeeze %dma_start3A_40 : memref<1x16384xf32, #tpu.memory_space<hbm>> -> memref<16384xf32, #tpu.memory_space<hbm>>
    tpu.enqueue_dma source(%dma_start3A_41 : memref<16384xf32, #tpu.memory_space<hbm>>) target(%arg10 : memref<16384xf32, #tpu.memory_space<vmem>>) target_semaphore(%arg14 : memref<!tpu.dma_semaphore, #tpu.memory_space<semaphore_mem>>)
    %scan3A = arith.constant 0 : i32
    %scan3A_42 = arith.constant 0 : i32
    %scan3A_43 = arith.constant 12 : i32
    %scan3A_44 = arith.addi %scan3A_42, %scan3A_43 : i32
    %scan3A_45 = arith.constant 1 : i32
    %scan3A_46 = scf.for %scan3A_102 = %scan3A_42 to %scan3A_44 step %scan3A_45 iter_args(%scan3A_103 = %scan3A) -> (i32)  : i32 {
      %mul3A_104 = arith.constant 4 : i32
      %mul3A_105 = arith.muli %mul3A_104, %scan3A_102 : i32
      %add3A_106 = arith.addi %mul3A_2, %mul3A_105 : i32
      %add3A_107 = arith.constant 0 : i32
      %add3A_108 = arith.addi %add3A_106, %add3A_107 : i32
      %dma_wait3A_109 = arith.constant 0 : i32
      %dma_wait3A_110 = tpu.memref_slice %arg2[%mul3A_2, %dma_wait3A_109] : memref<1536x16384xf32, #tpu.memory_space<hbm>> -> memref<1x16384xf32, #tpu.memory_space<hbm>>
      %dma_wait3A_111 = tpu.memref_squeeze %dma_wait3A_110 : memref<1x16384xf32, #tpu.memory_space<hbm>> -> memref<16384xf32, #tpu.memory_space<hbm>>
      %dma_wait3A_112 = arith.constant 0 : i32
      %dma_wait3A_113 = tpu.memref_slice %arg2[%mul3A_2, %dma_wait3A_112] : memref<1536x16384xf32, #tpu.memory_space<hbm>> -> memref<1x16384xf32, #tpu.memory_space<hbm>>
      %dma_wait3A_114 = tpu.memref_squeeze %dma_wait3A_113 : memref<1x16384xf32, #tpu.memory_space<hbm>> -> memref<16384xf32, #tpu.memory_space<hbm>>
      tpu.wait_dma2 semaphore(%arg14 : memref<!tpu.dma_semaphore, #tpu.memory_space<semaphore_mem>>) src(%dma_wait3A_114 : memref<16384xf32, #tpu.memory_space<hbm>>) dst(%arg8 : memref<16384xf32, #tpu.memory_space<vmem>>)
      %mul3A_115 = arith.constant 4 : i32
      %mul3A_116 = arith.muli %mul3A_115, %scan3A_102 : i32
      %add3A_117 = arith.constant 0 : i32
      %add3A_118 = arith.addi %mul3A_116, %add3A_117 : i32
      %ge3A = arith.constant 2 : i32
      %ge3A_119 = arith.cmpi sge, %add3A_118, %ge3A : i32
      %convert_element_type3A = arith.extui %ge3A_119 : i1 to i32
      %cond3A = arith.constant 0 : i32
      %cond3A_120 = arith.cmpi ne, %convert_element_type3A, %cond3A : i32
      scf.if %cond3A_120 {
        %dma_wait3A_268 = arith.constant 0 : i32
        %dma_wait3A_269 = tpu.memref_slice %arg5[%add3A_106, %dma_wait3A_268] : memref<1536x4096xf32, #tpu.memory_space<hbm>> -> memref<1x4096xf32, #tpu.memory_space<hbm>>
        %dma_wait3A_270 = tpu.memref_squeeze %dma_wait3A_269 : memref<1x4096xf32, #tpu.memory_space<hbm>> -> memref<4096xf32, #tpu.memory_space<hbm>>
        %dma_wait3A_271 = arith.constant 0 : i32
        %dma_wait3A_272 = tpu.memref_slice %arg5[%add3A_106, %dma_wait3A_271] : memref<1536x4096xf32, #tpu.memory_space<hbm>> -> memref<1x4096xf32, #tpu.memory_space<hbm>>
        %dma_wait3A_273 = tpu.memref_squeeze %dma_wait3A_272 : memref<1x4096xf32, #tpu.memory_space<hbm>> -> memref<4096xf32, #tpu.memory_space<hbm>>
        tpu.wait_dma2 semaphore(%arg15 : memref<!tpu.dma_semaphore, #tpu.memory_space<semaphore_mem>>) src(%arg12 : memref<4096xf32, #tpu.memory_space<vmem>>) dst(%dma_wait3A_273 : memref<4096xf32, #tpu.memory_space<hbm>>)
      } else {
      }
      %scan3A_121 = arith.constant 0 : i32
      %scan3A_122 = arith.constant 0 : i32
      %scan3A_123 = arith.constant 256 : i32
      %scan3A_124 = arith.addi %scan3A_122, %scan3A_123 : i32
      %scan3A_125 = arith.constant 8 : i32
      %scan3A_126 = scf.for %scan3A_268 = %scan3A_122 to %scan3A_124 step %scan3A_125 iter_args(%scan3A_269 = %scan3A_121) -> (i32)  : i32 {
        %mul3A_270 = arith.constant 16 : i32
        %mul3A_271 = arith.muli %scan3A_268, %mul3A_270 : i32
        %get3A = arith.index_cast %mul3A_271 : i32 to index
        %get3A_272 = tpu.vector_load %arg7[%get3A] {strides = array<i32>} : memref<4096xi32, #tpu.memory_space<vmem>>, vector<16xi32>,
        %gather3A = tpu.vector_load_idx %arg8[%get3A_272] : memref<16384xf32, #tpu.memory_space<vmem>>[vector<16xi32>], vector<16xf32>,
        %mul3A_273 = arith.constant 16 : i32
        %mul3A_274 = arith.muli %scan3A_268, %mul3A_273 : i32
        %swap3A = arith.index_cast %mul3A_274 : i32 to index
        %swap3A_275 = tpu.vector_load %arg12[%swap3A] {strides = array<i32>} : memref<4096xf32, #tpu.memory_space<vmem>>, vector<16xf32>,
        tpu.vector_store %arg12[%swap3A], %gather3A {strides = array<i32>} : memref<4096xf32, #tpu.memory_space<vmem>>, vector<16xf32>,
        %scan3A_276 = arith.constant 0 : i32
        %scan3A_277 = arith.constant 1 : i32
        %scan3A_278 = arith.addi %scan3A_268, %scan3A_277 : i32
        %mul3A_279 = arith.constant 16 : i32
        %mul3A_280 = arith.muli %scan3A_278, %mul3A_279 : i32
        %get3A_281 = arith.index_cast %mul3A_280 : i32 to index
        %get3A_282 = tpu.vector_load %arg7[%get3A_281] {strides = array<i32>} : memref<4096xi32, #tpu.memory_space<vmem>>, vector<16xi32>,
        %gather3A_283 = tpu.vector_load_idx %arg8[%get3A_282] : memref<16384xf32, #tpu.memory_space<vmem>>[vector<16xi32>], vector<16xf32>,
        %mul3A_284 = arith.constant 16 : i32
        %mul3A_285 = arith.muli %scan3A_278, %mul3A_284 : i32
        %swap3A_286 = arith.index_cast %mul3A_285 : i32 to index
        %swap3A_287 = tpu.vector_load %arg12[%swap3A_286] {strides = array<i32>} : memref<4096xf32, #tpu.memory_space<vmem>>, vector<16xf32>,
        tpu.vector_store %arg12[%swap3A_286], %gather3A_283 {strides = array<i32>} : memref<4096xf32, #tpu.memory_space<vmem>>, vector<16xf32>,
        %scan3A_288 = arith.constant 0 : i32
        %scan3A_289 = arith.constant 2 : i32
        %scan3A_290 = arith.addi %scan3A_268, %scan3A_289 : i32
        %mul3A_291 = arith.constant 16 : i32
        %mul3A_292 = arith.muli %scan3A_290, %mul3A_291 : i32
        %get3A_293 = arith.index_cast %mul3A_292 : i32 to index
        %get3A_294 = tpu.vector_load %arg7[%get3A_293] {strides = array<i32>} : memref<4096xi32, #tpu.memory_space<vmem>>, vector<16xi32>,
        %gather3A_295 = tpu.vector_load_idx %arg8[%get3A_294] : memref<16384xf32, #tpu.memory_space<vmem>>[vector<16xi32>], vector<16xf32>,
        %mul3A_296 = arith.constant 16 : i32
        %mul3A_297 = arith.muli %scan3A_290, %mul3A_296 : i32
        %swap3A_298 = arith.index_cast %mul3A_297 : i32 to index
        %swap3A_299 = tpu.vector_load %arg12[%swap3A_298] {strides = array<i32>} : memref<4096xf32, #tpu.memory_space<vmem>>, vector<16xf32>,
        tpu.vector_store %arg12[%swap3A_298], %gather3A_295 {strides = array<i32>} : memref<4096xf32, #tpu.memory_space<vmem>>, vector<16xf32>,
        %scan3A_300 = arith.constant 0 : i32
        %scan3A_301 = arith.constant 3 : i32
        %scan3A_302 = arith.addi %scan3A_268, %scan3A_301 : i32
        %mul3A_303 = arith.constant 16 : i32
        %mul3A_304 = arith.muli %scan3A_302, %mul3A_303 : i32
        %get3A_305 = arith.index_cast %mul3A_304 : i32 to index
        %get3A_306 = tpu.vector_load %arg7[%get3A_305] {strides = array<i32>} : memref<4096xi32, #tpu.memory_space<vmem>>, vector<16xi32>,
        %gather3A_307 = tpu.vector_load_idx %arg8[%get3A_306] : memref<16384xf32, #tpu.memory_space<vmem>>[vector<16xi32>], vector<16xf32>,
        %mul3A_308 = arith.constant 16 : i32
        %mul3A_309 = arith.muli %scan3A_302, %mul3A_308 : i32
        %swap3A_310 = arith.index_cast %mul3A_309 : i32 to index
        %swap3A_311 = tpu.vector_load %arg12[%swap3A_310] {strides = array<i32>} : memref<4096xf32, #tpu.memory_space<vmem>>, vector<16xf32>,
        tpu.vector_store %arg12[%swap3A_310], %gather3A_307 {strides = array<i32>} : memref<4096xf32, #tpu.memory_space<vmem>>, vector<16xf32>,
        %scan3A_312 = arith.constant 0 : i32
        %scan3A_313 = arith.constant 4 : i32
        %scan3A_314 = arith.addi %scan3A_268, %scan3A_313 : i32
        %mul3A_315 = arith.constant 16 : i32
        %mul3A_316 = arith.muli %scan3A_314, %mul3A_315 : i32
        %get3A_317 = arith.index_cast %mul3A_316 : i32 to index
        %get3A_318 = tpu.vector_load %arg7[%get3A_317] {strides = array<i32>} : memref<4096xi32, #tpu.memory_space<vmem>>, vector<16xi32>,
        %gather3A_319 = tpu.vector_load_idx %arg8[%get3A_318] : memref<16384xf32, #tpu.memory_space<vmem>>[vector<16xi32>], vector<16xf32>,
        %mul3A_320 = arith.constant 16 : i32
        %mul3A_321 = arith.muli %scan3A_314, %mul3A_320 : i32
        %swap3A_322 = arith.index_cast %mul3A_321 : i32 to index
        %swap3A_323 = tpu.vector_load %arg12[%swap3A_322] {strides = array<i32>} : memref<4096xf32, #tpu.memory_space<vmem>>, vector<16xf32>,
        tpu.vector_store %arg12[%swap3A_322], %gather3A_319 {strides = array<i32>} : memref<4096xf32, #tpu.memory_space<vmem>>, vector<16xf32>,
        %scan3A_324 = arith.constant 0 : i32
        %scan3A_325 = arith.constant 5 : i32
        %scan3A_326 = arith.addi %scan3A_268, %scan3A_325 : i32
        %mul3A_327 = arith.constant 16 : i32
        %mul3A_328 = arith.muli %scan3A_326, %mul3A_327 : i32
        %get3A_329 = arith.index_cast %mul3A_328 : i32 to index
        %get3A_330 = tpu.vector_load %arg7[%get3A_329] {strides = array<i32>} : memref<4096xi32, #tpu.memory_space<vmem>>, vector<16xi32>,
        %gather3A_331 = tpu.vector_load_idx %arg8[%get3A_330] : memref<16384xf32, #tpu.memory_space<vmem>>[vector<16xi32>], vector<16xf32>,
        %mul3A_332 = arith.constant 16 : i32
        %mul3A_333 = arith.muli %scan3A_326, %mul3A_332 : i32
        %swap3A_334 = arith.index_cast %mul3A_333 : i32 to index
        %swap3A_335 = tpu.vector_load %arg12[%swap3A_334] {strides = array<i32>} : memref<4096xf32, #tpu.memory_space<vmem>>, vector<16xf32>,
        tpu.vector_store %arg12[%swap3A_334], %gather3A_331 {strides = array<i32>} : memref<4096xf32, #tpu.memory_space<vmem>>, vector<16xf32>,
        %scan3A_336 = arith.constant 0 : i32
        %scan3A_337 = arith.constant 6 : i32
        %scan3A_338 = arith.addi %scan3A_268, %scan3A_337 : i32
        %mul3A_339 = arith.constant 16 : i32
        %mul3A_340 = arith.muli %scan3A_338, %mul3A_339 : i32
        %get3A_341 = arith.index_cast %mul3A_340 : i32 to index
        %get3A_342 = tpu.vector_load %arg7[%get3A_341] {strides = array<i32>} : memref<4096xi32, #tpu.memory_space<vmem>>, vector<16xi32>,
        %gather3A_343 = tpu.vector_load_idx %arg8[%get3A_342] : memref<16384xf32, #tpu.memory_space<vmem>>[vector<16xi32>], vector<16xf32>,
        %mul3A_344 = arith.constant 16 : i32
        %mul3A_345 = arith.muli %scan3A_338, %mul3A_344 : i32
        %swap3A_346 = arith.index_cast %mul3A_345 : i32 to index
        %swap3A_347 = tpu.vector_load %arg12[%swap3A_346] {strides = array<i32>} : memref<4096xf32, #tpu.memory_space<vmem>>, vector<16xf32>,
        tpu.vector_store %arg12[%swap3A_346], %gather3A_343 {strides = array<i32>} : memref<4096xf32, #tpu.memory_space<vmem>>, vector<16xf32>,
        %scan3A_348 = arith.constant 0 : i32
        %scan3A_349 = arith.constant 7 : i32
        %scan3A_350 = arith.addi %scan3A_268, %scan3A_349 : i32
        %mul3A_351 = arith.constant 16 : i32
        %mul3A_352 = arith.muli %scan3A_350, %mul3A_351 : i32
        %get3A_353 = arith.index_cast %mul3A_352 : i32 to index
        %get3A_354 = tpu.vector_load %arg7[%get3A_353] {strides = array<i32>} : memref<4096xi32, #tpu.memory_space<vmem>>, vector<16xi32>,
        %gather3A_355 = tpu.vector_load_idx %arg8[%get3A_354] : memref<16384xf32, #tpu.memory_space<vmem>>[vector<16xi32>], vector<16xf32>,
        %mul3A_356 = arith.constant 16 : i32
        %mul3A_357 = arith.muli %scan3A_350, %mul3A_356 : i32
        %swap3A_358 = arith.index_cast %mul3A_357 : i32 to index
        %swap3A_359 = tpu.vector_load %arg12[%swap3A_358] {strides = array<i32>} : memref<4096xf32, #tpu.memory_space<vmem>>, vector<16xf32>,
        tpu.vector_store %arg12[%swap3A_358], %gather3A_355 {strides = array<i32>} : memref<4096xf32, #tpu.memory_space<vmem>>, vector<16xf32>,
        %scan3A_360 = arith.constant 0 : i32
        scf.yield %scan3A_360 : i32
      }
      %scan3A_127 = arith.constant 256 : i32
      %dma_start3A_128 = arith.constant 0 : i32
      %dma_start3A_129 = tpu.memref_slice %arg5[%add3A_108, %dma_start3A_128] : memref<1536x4096xf32, #tpu.memory_space<hbm>> -> memref<1x4096xf32, #tpu.memory_space<hbm>>
      %dma_start3A_130 = tpu.memref_squeeze %dma_start3A_129 : memref<1x4096xf32, #tpu.memory_space<hbm>> -> memref<4096xf32, #tpu.memory_space<hbm>>
      %dma_start3A_131 = arith.constant 0 : i32
      %dma_start3A_132 = tpu.memref_slice %arg5[%add3A_108, %dma_start3A_131] : memref<1536x4096xf32, #tpu.memory_space<hbm>> -> memref<1x4096xf32, #tpu.memory_space<hbm>>
      %dma_start3A_133 = tpu.memref_squeeze %dma_start3A_132 : memref<1x4096xf32, #tpu.memory_space<hbm>> -> memref<4096xf32, #tpu.memory_space<hbm>>
      tpu.enqueue_dma source(%arg12 : memref<4096xf32, #tpu.memory_space<vmem>>) target(%dma_start3A_133 : memref<4096xf32, #tpu.memory_space<hbm>>) target_semaphore(%arg15 : memref<!tpu.dma_semaphore, #tpu.memory_space<semaphore_mem>>)
      %mul3A_134 = arith.constant 4 : i32
      %mul3A_135 = arith.muli %mul3A_134, %scan3A_102 : i32
      %add3A_136 = arith.constant 0 : i32
      %add3A_137 = arith.addi %mul3A_135, %add3A_136 : i32
      %add3A_138 = arith.constant 3 : i32
      %add3A_139 = arith.addi %add3A_137, %add3A_138 : i32
      %lt3A = arith.constant 48 : i32
      %lt3A_140 = arith.cmpi slt, %add3A_139, %lt3A : i32
      %convert_element_type3A_141 = arith.extui %lt3A_140 : i1 to i32
      %cond3A_142 = arith.constant 0 : i32
      %cond3A_143 = arith.cmpi ne, %convert_element_type3A_141, %cond3A_142 : i32
      scf.if %cond3A_143 {
        %add3A_268 = arith.constant 3 : i32
        %add3A_269 = arith.addi %add3A_108, %add3A_268 : i32
        %dma_start3A_270 = arith.constant 0 : i32
        %dma_start3A_271 = tpu.memref_slice %arg2[%add3A_269, %dma_start3A_270] : memref<1536x16384xf32, #tpu.memory_space<hbm>> -> memref<1x16384xf32, #tpu.memory_space<hbm>>
        %dma_start3A_272 = tpu.memref_squeeze %dma_start3A_271 : memref<1x16384xf32, #tpu.memory_space<hbm>> -> memref<16384xf32, #tpu.memory_space<hbm>>
        %dma_start3A_273 = arith.constant 0 : i32
        %dma_start3A_274 = tpu.memref_slice %arg2[%add3A_269, %dma_start3A_273] : memref<1536x16384xf32, #tpu.memory_space<hbm>> -> memref<1x16384xf32, #tpu.memory_space<hbm>>
        %dma_start3A_275 = tpu.memref_squeeze %dma_start3A_274 : memref<1x16384xf32, #tpu.memory_space<hbm>> -> memref<16384xf32, #tpu.memory_space<hbm>>
        tpu.enqueue_dma source(%dma_start3A_275 : memref<16384xf32, #tpu.memory_space<hbm>>) target(%arg11 : memref<16384xf32, #tpu.memory_space<vmem>>) target_semaphore(%arg14 : memref<!tpu.dma_semaphore, #tpu.memory_space<semaphore_mem>>)
      } else {
      }
      %add3A_144 = arith.constant 1 : i32
      %add3A_145 = arith.addi %add3A_106, %add3A_144 : i32
      %dma_wait3A_146 = arith.constant 0 : i32
      %dma_wait3A_147 = tpu.memref_slice %arg2[%mul3A_2, %dma_wait3A_146] : memref<1536x16384xf32, #tpu.memory_space<hbm>> -> memref<1x16384xf32, #tpu.memory_space<hbm>>
      %dma_wait3A_148 = tpu.memref_squeeze %dma_wait3A_147 : memref<1x16384xf32, #tpu.memory_space<hbm>> -> memref<16384xf32, #tpu.memory_space<hbm>>
      %dma_wait3A_149 = arith.constant 0 : i32
      %dma_wait3A_150 = tpu.memref_slice %arg2[%mul3A_2, %dma_wait3A_149] : memref<1536x16384xf32, #tpu.memory_space<hbm>> -> memref<1x16384xf32, #tpu.memory_space<hbm>>
      %dma_wait3A_151 = tpu.memref_squeeze %dma_wait3A_150 : memref<1x16384xf32, #tpu.memory_space<hbm>> -> memref<16384xf32, #tpu.memory_space<hbm>>
      tpu.wait_dma2 semaphore(%arg14 : memref<!tpu.dma_semaphore, #tpu.memory_space<semaphore_mem>>) src(%dma_wait3A_151 : memref<16384xf32, #tpu.memory_space<hbm>>) dst(%arg9 : memref<16384xf32, #tpu.memory_space<vmem>>)
      %mul3A_152 = arith.constant 4 : i32
      %mul3A_153 = arith.muli %mul3A_152, %scan3A_102 : i32
      %add3A_154 = arith.constant 1 : i32
      %add3A_155 = arith.addi %mul3A_153, %add3A_154 : i32
      %ge3A_156 = arith.constant 2 : i32
      %ge3A_157 = arith.cmpi sge, %add3A_155, %ge3A_156 : i32
      %convert_element_type3A_158 = arith.extui %ge3A_157 : i1 to i32
      %cond3A_159 = arith.constant 0 : i32
      %cond3A_160 = arith.cmpi ne, %convert_element_type3A_158, %cond3A_159 : i32
      scf.if %cond3A_160 {
        %dma_wait3A_268 = arith.constant 0 : i32
        %dma_wait3A_269 = tpu.memref_slice %arg5[%add3A_106, %dma_wait3A_268] : memref<1536x4096xf32, #tpu.memory_space<hbm>> -> memref<1x4096xf32, #tpu.memory_space<hbm>>
        %dma_wait3A_270 = tpu.memref_squeeze %dma_wait3A_269 : memref<1x4096xf32, #tpu.memory_space<hbm>> -> memref<4096xf32, #tpu.memory_space<hbm>>
        %dma_wait3A_271 = arith.constant 0 : i32
        %dma_wait3A_272 = tpu.memref_slice %arg5[%add3A_106, %dma_wait3A_271] : memref<1536x4096xf32, #tpu.memory_space<hbm>> -> memref<1x4096xf32, #tpu.memory_space<hbm>>
        %dma_wait3A_273 = tpu.memref_squeeze %dma_wait3A_272 : memref<1x4096xf32, #tpu.memory_space<hbm>> -> memref<4096xf32, #tpu.memory_space<hbm>>
        tpu.wait_dma2 semaphore(%arg16 : memref<!tpu.dma_semaphore, #tpu.memory_space<semaphore_mem>>) src(%arg13 : memref<4096xf32, #tpu.memory_space<vmem>>) dst(%dma_wait3A_273 : memref<4096xf32, #tpu.memory_space<hbm>>)
      } else {
      }
      %scan3A_161 = arith.constant 0 : i32
      %scan3A_162 = arith.constant 0 : i32
      %scan3A_163 = arith.constant 256 : i32
      %scan3A_164 = arith.addi %scan3A_162, %scan3A_163 : i32
      %scan3A_165 = arith.constant 8 : i32
      %scan3A_166 = scf.for %scan3A_268 = %scan3A_162 to %scan3A_164 step %scan3A_165 iter_args(%scan3A_269 = %scan3A_161) -> (i32)  : i32 {
        %mul3A_270 = arith.constant 16 : i32
        %mul3A_271 = arith.muli %scan3A_268, %mul3A_270 : i32
        %get3A = arith.index_cast %mul3A_271 : i32 to index
        %get3A_272 = tpu.vector_load %arg7[%get3A] {strides = array<i32>} : memref<4096xi32, #tpu.memory_space<vmem>>, vector<16xi32>,
        %gather3A = tpu.vector_load_idx %arg9[%get3A_272] : memref<16384xf32, #tpu.memory_space<vmem>>[vector<16xi32>], vector<16xf32>,
        %mul3A_273 = arith.constant 16 : i32
        %mul3A_274 = arith.muli %scan3A_268, %mul3A_273 : i32
        %swap3A = arith.index_cast %mul3A_274 : i32 to index
        %swap3A_275 = tpu.vector_load %arg13[%swap3A] {strides = array<i32>} : memref<4096xf32, #tpu.memory_space<vmem>>, vector<16xf32>,
        tpu.vector_store %arg13[%swap3A], %gather3A {strides = array<i32>} : memref<4096xf32, #tpu.memory_space<vmem>>, vector<16xf32>,
        %scan3A_276 = arith.constant 0 : i32
        %scan3A_277 = arith.constant 1 : i32
        %scan3A_278 = arith.addi %scan3A_268, %scan3A_277 : i32
        %mul3A_279 = arith.constant 16 : i32
        %mul3A_280 = arith.muli %scan3A_278, %mul3A_279 : i32
        %get3A_281 = arith.index_cast %mul3A_280 : i32 to index
        %get3A_282 = tpu.vector_load %arg7[%get3A_281] {strides = array<i32>} : memref<4096xi32, #tpu.memory_space<vmem>>, vector<16xi32>,
        %gather3A_283 = tpu.vector_load_idx %arg9[%get3A_282] : memref<16384xf32, #tpu.memory_space<vmem>>[vector<16xi32>], vector<16xf32>,
        %mul3A_284 = arith.constant 16 : i32
        %mul3A_285 = arith.muli %scan3A_278, %mul3A_284 : i32
        %swap3A_286 = arith.index_cast %mul3A_285 : i32 to index
        %swap3A_287 = tpu.vector_load %arg13[%swap3A_286] {strides = array<i32>} : memref<4096xf32, #tpu.memory_space<vmem>>, vector<16xf32>,
        tpu.vector_store %arg13[%swap3A_286], %gather3A_283 {strides = array<i32>} : memref<4096xf32, #tpu.memory_space<vmem>>, vector<16xf32>,
        %scan3A_288 = arith.constant 0 : i32
        %scan3A_289 = arith.constant 2 : i32
        %scan3A_290 = arith.addi %scan3A_268, %scan3A_289 : i32
        %mul3A_291 = arith.constant 16 : i32
        %mul3A_292 = arith.muli %scan3A_290, %mul3A_291 : i32
        %get3A_293 = arith.index_cast %mul3A_292 : i32 to index
        %get3A_294 = tpu.vector_load %arg7[%get3A_293] {strides = array<i32>} : memref<4096xi32, #tpu.memory_space<vmem>>, vector<16xi32>,
        %gather3A_295 = tpu.vector_load_idx %arg9[%get3A_294] : memref<16384xf32, #tpu.memory_space<vmem>>[vector<16xi32>], vector<16xf32>,
        %mul3A_296 = arith.constant 16 : i32
        %mul3A_297 = arith.muli %scan3A_290, %mul3A_296 : i32
        %swap3A_298 = arith.index_cast %mul3A_297 : i32 to index
        %swap3A_299 = tpu.vector_load %arg13[%swap3A_298] {strides = array<i32>} : memref<4096xf32, #tpu.memory_space<vmem>>, vector<16xf32>,
        tpu.vector_store %arg13[%swap3A_298], %gather3A_295 {strides = array<i32>} : memref<4096xf32, #tpu.memory_space<vmem>>, vector<16xf32>,
        %scan3A_300 = arith.constant 0 : i32
        %scan3A_301 = arith.constant 3 : i32
        %scan3A_302 = arith.addi %scan3A_268, %scan3A_301 : i32
        %mul3A_303 = arith.constant 16 : i32
        %mul3A_304 = arith.muli %scan3A_302, %mul3A_303 : i32
        %get3A_305 = arith.index_cast %mul3A_304 : i32 to index
        %get3A_306 = tpu.vector_load %arg7[%get3A_305] {strides = array<i32>} : memref<4096xi32, #tpu.memory_space<vmem>>, vector<16xi32>,
        %gather3A_307 = tpu.vector_load_idx %arg9[%get3A_306] : memref<16384xf32, #tpu.memory_space<vmem>>[vector<16xi32>], vector<16xf32>,
        %mul3A_308 = arith.constant 16 : i32
        %mul3A_309 = arith.muli %scan3A_302, %mul3A_308 : i32
        %swap3A_310 = arith.index_cast %mul3A_309 : i32 to index
        %swap3A_311 = tpu.vector_load %arg13[%swap3A_310] {strides = array<i32>} : memref<4096xf32, #tpu.memory_space<vmem>>, vector<16xf32>,
        tpu.vector_store %arg13[%swap3A_310], %gather3A_307 {strides = array<i32>} : memref<4096xf32, #tpu.memory_space<vmem>>, vector<16xf32>,
        %scan3A_312 = arith.constant 0 : i32
        %scan3A_313 = arith.constant 4 : i32
        %scan3A_314 = arith.addi %scan3A_268, %scan3A_313 : i32
        %mul3A_315 = arith.constant 16 : i32
        %mul3A_316 = arith.muli %scan3A_314, %mul3A_315 : i32
        %get3A_317 = arith.index_cast %mul3A_316 : i32 to index
        %get3A_318 = tpu.vector_load %arg7[%get3A_317] {strides = array<i32>} : memref<4096xi32, #tpu.memory_space<vmem>>, vector<16xi32>,
        %gather3A_319 = tpu.vector_load_idx %arg9[%get3A_318] : memref<16384xf32, #tpu.memory_space<vmem>>[vector<16xi32>], vector<16xf32>,
        %mul3A_320 = arith.constant 16 : i32
        %mul3A_321 = arith.muli %scan3A_314, %mul3A_320 : i32
        %swap3A_322 = arith.index_cast %mul3A_321 : i32 to index
        %swap3A_323 = tpu.vector_load %arg13[%swap3A_322] {strides = array<i32>} : memref<4096xf32, #tpu.memory_space<vmem>>, vector<16xf32>,
        tpu.vector_store %arg13[%swap3A_322], %gather3A_319 {strides = array<i32>} : memref<4096xf32, #tpu.memory_space<vmem>>, vector<16xf32>,
        %scan3A_324 = arith.constant 0 : i32
        %scan3A_325 = arith.constant 5 : i32
        %scan3A_326 = arith.addi %scan3A_268, %scan3A_325 : i32
        %mul3A_327 = arith.constant 16 : i32
        %mul3A_328 = arith.muli %scan3A_326, %mul3A_327 : i32
        %get3A_329 = arith.index_cast %mul3A_328 : i32 to index
        %get3A_330 = tpu.vector_load %arg7[%get3A_329] {strides = array<i32>} : memref<4096xi32, #tpu.memory_space<vmem>>, vector<16xi32>,
        %gather3A_331 = tpu.vector_load_idx %arg9[%get3A_330] : memref<16384xf32, #tpu.memory_space<vmem>>[vector<16xi32>], vector<16xf32>,
        %mul3A_332 = arith.constant 16 : i32
        %mul3A_333 = arith.muli %scan3A_326, %mul3A_332 : i32
        %swap3A_334 = arith.index_cast %mul3A_333 : i32 to index
        %swap3A_335 = tpu.vector_load %arg13[%swap3A_334] {strides = array<i32>} : memref<4096xf32, #tpu.memory_space<vmem>>, vector<16xf32>,
        tpu.vector_store %arg13[%swap3A_334], %gather3A_331 {strides = array<i32>} : memref<4096xf32, #tpu.memory_space<vmem>>, vector<16xf32>,
        %scan3A_336 = arith.constant 0 : i32
        %scan3A_337 = arith.constant 6 : i32
        %scan3A_338 = arith.addi %scan3A_268, %scan3A_337 : i32
        %mul3A_339 = arith.constant 16 : i32
        %mul3A_340 = arith.muli %scan3A_338, %mul3A_339 : i32
        %get3A_341 = arith.index_cast %mul3A_340 : i32 to index
        %get3A_342 = tpu.vector_load %arg7[%get3A_341] {strides = array<i32>} : memref<4096xi32, #tpu.memory_space<vmem>>, vector<16xi32>,
        %gather3A_343 = tpu.vector_load_idx %arg9[%get3A_342] : memref<16384xf32, #tpu.memory_space<vmem>>[vector<16xi32>], vector<16xf32>,
        %mul3A_344 = arith.constant 16 : i32
        %mul3A_345 = arith.muli %scan3A_338, %mul3A_344 : i32
        %swap3A_346 = arith.index_cast %mul3A_345 : i32 to index
        %swap3A_347 = tpu.vector_load %arg13[%swap3A_346] {strides = array<i32>} : memref<4096xf32, #tpu.memory_space<vmem>>, vector<16xf32>,
        tpu.vector_store %arg13[%swap3A_346], %gather3A_343 {strides = array<i32>} : memref<4096xf32, #tpu.memory_space<vmem>>, vector<16xf32>,
        %scan3A_348 = arith.constant 0 : i32
        %scan3A_349 = arith.constant 7 : i32
        %scan3A_350 = arith.addi %scan3A_268, %scan3A_349 : i32
        %mul3A_351 = arith.constant 16 : i32
        %mul3A_352 = arith.muli %scan3A_350, %mul3A_351 : i32
        %get3A_353 = arith.index_cast %mul3A_352 : i32 to index
        %get3A_354 = tpu.vector_load %arg7[%get3A_353] {strides = array<i32>} : memref<4096xi32, #tpu.memory_space<vmem>>, vector<16xi32>,
        %gather3A_355 = tpu.vector_load_idx %arg9[%get3A_354] : memref<16384xf32, #tpu.memory_space<vmem>>[vector<16xi32>], vector<16xf32>,
        %mul3A_356 = arith.constant 16 : i32
        %mul3A_357 = arith.muli %scan3A_350, %mul3A_356 : i32
        %swap3A_358 = arith.index_cast %mul3A_357 : i32 to index
        %swap3A_359 = tpu.vector_load %arg13[%swap3A_358] {strides = array<i32>} : memref<4096xf32, #tpu.memory_space<vmem>>, vector<16xf32>,
        tpu.vector_store %arg13[%swap3A_358], %gather3A_355 {strides = array<i32>} : memref<4096xf32, #tpu.memory_space<vmem>>, vector<16xf32>,
        %scan3A_360 = arith.constant 0 : i32
        scf.yield %scan3A_360 : i32
      }
      %scan3A_167 = arith.constant 256 : i32
      %dma_start3A_168 = arith.constant 0 : i32
      %dma_start3A_169 = tpu.memref_slice %arg5[%add3A_145, %dma_start3A_168] : memref<1536x4096xf32, #tpu.memory_space<hbm>> -> memref<1x4096xf32, #tpu.memory_space<hbm>>
      %dma_start3A_170 = tpu.memref_squeeze %dma_start3A_169 : memref<1x4096xf32, #tpu.memory_space<hbm>> -> memref<4096xf32, #tpu.memory_space<hbm>>
      %dma_start3A_171 = arith.constant 0 : i32
      %dma_start3A_172 = tpu.memref_slice %arg5[%add3A_145, %dma_start3A_171] : memref<1536x4096xf32, #tpu.memory_space<hbm>> -> memref<1x4096xf32, #tpu.memory_space<hbm>>
      %dma_start3A_173 = tpu.memref_squeeze %dma_start3A_172 : memref<1x4096xf32, #tpu.memory_space<hbm>> -> memref<4096xf32, #tpu.memory_space<hbm>>
      tpu.enqueue_dma source(%arg13 : memref<4096xf32, #tpu.memory_space<vmem>>) target(%dma_start3A_173 : memref<4096xf32, #tpu.memory_space<hbm>>) target_semaphore(%arg16 : memref<!tpu.dma_semaphore, #tpu.memory_space<semaphore_mem>>)
      %mul3A_174 = arith.constant 4 : i32
      %mul3A_175 = arith.muli %mul3A_174, %scan3A_102 : i32
      %add3A_176 = arith.constant 1 : i32
      %add3A_177 = arith.addi %mul3A_175, %add3A_176 : i32
      %add3A_178 = arith.constant 3 : i32
      %add3A_179 = arith.addi %add3A_177, %add3A_178 : i32
      %lt3A_180 = arith.constant 48 : i32
      %lt3A_181 = arith.cmpi slt, %add3A_179, %lt3A_180 : i32
      %convert_element_type3A_182 = arith.extui %lt3A_181 : i1 to i32
      %cond3A_183 = arith.constant 0 : i32
      %cond3A_184 = arith.cmpi ne, %convert_element_type3A_182, %cond3A_183 : i32
      scf.if %cond3A_184 {
        %add3A_268 = arith.constant 3 : i32
        %add3A_269 = arith.addi %add3A_145, %add3A_268 : i32
        %dma_start3A_270 = arith.constant 0 : i32
        %dma_start3A_271 = tpu.memref_slice %arg2[%add3A_269, %dma_start3A_270] : memref<1536x16384xf32, #tpu.memory_space<hbm>> -> memref<1x16384xf32, #tpu.memory_space<hbm>>
        %dma_start3A_272 = tpu.memref_squeeze %dma_start3A_271 : memref<1x16384xf32, #tpu.memory_space<hbm>> -> memref<16384xf32, #tpu.memory_space<hbm>>
        %dma_start3A_273 = arith.constant 0 : i32
        %dma_start3A_274 = tpu.memref_slice %arg2[%add3A_269, %dma_start3A_273] : memref<1536x16384xf32, #tpu.memory_space<hbm>> -> memref<1x16384xf32, #tpu.memory_space<hbm>>
        %dma_start3A_275 = tpu.memref_squeeze %dma_start3A_274 : memref<1x16384xf32, #tpu.memory_space<hbm>> -> memref<16384xf32, #tpu.memory_space<hbm>>
        tpu.enqueue_dma source(%dma_start3A_275 : memref<16384xf32, #tpu.memory_space<hbm>>) target(%arg8 : memref<16384xf32, #tpu.memory_space<vmem>>) target_semaphore(%arg14 : memref<!tpu.dma_semaphore, #tpu.memory_space<semaphore_mem>>)
      } else {
      }
      %add3A_185 = arith.constant 2 : i32
      %add3A_186 = arith.addi %add3A_106, %add3A_185 : i32
      %dma_wait3A_187 = arith.constant 0 : i32
      %dma_wait3A_188 = tpu.memref_slice %arg2[%mul3A_2, %dma_wait3A_187] : memref<1536x16384xf32, #tpu.memory_space<hbm>> -> memref<1x16384xf32, #tpu.memory_space<hbm>>
      %dma_wait3A_189 = tpu.memref_squeeze %dma_wait3A_188 : memref<1x16384xf32, #tpu.memory_space<hbm>> -> memref<16384xf32, #tpu.memory_space<hbm>>
      %dma_wait3A_190 = arith.constant 0 : i32
      %dma_wait3A_191 = tpu.memref_slice %arg2[%mul3A_2, %dma_wait3A_190] : memref<1536x16384xf32, #tpu.memory_space<hbm>> -> memref<1x16384xf32, #tpu.memory_space<hbm>>
      %dma_wait3A_192 = tpu.memref_squeeze %dma_wait3A_191 : memref<1x16384xf32, #tpu.memory_space<hbm>> -> memref<16384xf32, #tpu.memory_space<hbm>>
      tpu.wait_dma2 semaphore(%arg14 : memref<!tpu.dma_semaphore, #tpu.memory_space<semaphore_mem>>) src(%dma_wait3A_192 : memref<16384xf32, #tpu.memory_space<hbm>>) dst(%arg10 : memref<16384xf32, #tpu.memory_space<vmem>>)
      %mul3A_193 = arith.constant 4 : i32
      %mul3A_194 = arith.muli %mul3A_193, %scan3A_102 : i32
      %add3A_195 = arith.constant 2 : i32
      %add3A_196 = arith.addi %mul3A_194, %add3A_195 : i32
      %ge3A_197 = arith.constant 2 : i32
      %ge3A_198 = arith.cmpi sge, %add3A_196, %ge3A_197 : i32
      %convert_element_type3A_199 = arith.extui %ge3A_198 : i1 to i32
      %cond3A_200 = arith.constant 0 : i32
      %cond3A_201 = arith.cmpi ne, %convert_element_type3A_199, %cond3A_200 : i32
      scf.if %cond3A_201 {
        %dma_wait3A_268 = arith.constant 0 : i32
        %dma_wait3A_269 = tpu.memref_slice %arg5[%add3A_106, %dma_wait3A_268] : memref<1536x4096xf32, #tpu.memory_space<hbm>> -> memref<1x4096xf32, #tpu.memory_space<hbm>>
        %dma_wait3A_270 = tpu.memref_squeeze %dma_wait3A_269 : memref<1x4096xf32, #tpu.memory_space<hbm>> -> memref<4096xf32, #tpu.memory_space<hbm>>
        %dma_wait3A_271 = arith.constant 0 : i32
        %dma_wait3A_272 = tpu.memref_slice %arg5[%add3A_106, %dma_wait3A_271] : memref<1536x4096xf32, #tpu.memory_space<hbm>> -> memref<1x4096xf32, #tpu.memory_space<hbm>>
        %dma_wait3A_273 = tpu.memref_squeeze %dma_wait3A_272 : memref<1x4096xf32, #tpu.memory_space<hbm>> -> memref<4096xf32, #tpu.memory_space<hbm>>
        tpu.wait_dma2 semaphore(%arg15 : memref<!tpu.dma_semaphore, #tpu.memory_space<semaphore_mem>>) src(%arg12 : memref<4096xf32, #tpu.memory_space<vmem>>) dst(%dma_wait3A_273 : memref<4096xf32, #tpu.memory_space<hbm>>)
      } else {
      }
      %scan3A_202 = arith.constant 0 : i32
      %scan3A_203 = arith.constant 0 : i32
      %scan3A_204 = arith.constant 256 : i32
      %scan3A_205 = arith.addi %scan3A_203, %scan3A_204 : i32
      %scan3A_206 = arith.constant 8 : i32
      %scan3A_207 = scf.for %scan3A_268 = %scan3A_203 to %scan3A_205 step %scan3A_206 iter_args(%scan3A_269 = %scan3A_202) -> (i32)  : i32 {
        %mul3A_270 = arith.constant 16 : i32
        %mul3A_271 = arith.muli %scan3A_268, %mul3A_270 : i32
        %get3A = arith.index_cast %mul3A_271 : i32 to index
        %get3A_272 = tpu.vector_load %arg7[%get3A] {strides = array<i32>} : memref<4096xi32, #tpu.memory_space<vmem>>, vector<16xi32>,
        %gather3A = tpu.vector_load_idx %arg10[%get3A_272] : memref<16384xf32, #tpu.memory_space<vmem>>[vector<16xi32>], vector<16xf32>,
        %mul3A_273 = arith.constant 16 : i32
        %mul3A_274 = arith.muli %scan3A_268, %mul3A_273 : i32
        %swap3A = arith.index_cast %mul3A_274 : i32 to index
        %swap3A_275 = tpu.vector_load %arg12[%swap3A] {strides = array<i32>} : memref<4096xf32, #tpu.memory_space<vmem>>, vector<16xf32>,
        tpu.vector_store %arg12[%swap3A], %gather3A {strides = array<i32>} : memref<4096xf32, #tpu.memory_space<vmem>>, vector<16xf32>,
        %scan3A_276 = arith.constant 0 : i32
        %scan3A_277 = arith.constant 1 : i32
        %scan3A_278 = arith.addi %scan3A_268, %scan3A_277 : i32
        %mul3A_279 = arith.constant 16 : i32
        %mul3A_280 = arith.muli %scan3A_278, %mul3A_279 : i32
        %get3A_281 = arith.index_cast %mul3A_280 : i32 to index
        %get3A_282 = tpu.vector_load %arg7[%get3A_281] {strides = array<i32>} : memref<4096xi32, #tpu.memory_space<vmem>>, vector<16xi32>,
        %gather3A_283 = tpu.vector_load_idx %arg10[%get3A_282] : memref<16384xf32, #tpu.memory_space<vmem>>[vector<16xi32>], vector<16xf32>,
        %mul3A_284 = arith.constant 16 : i32
        %mul3A_285 = arith.muli %scan3A_278, %mul3A_284 : i32
        %swap3A_286 = arith.index_cast %mul3A_285 : i32 to index
        %swap3A_287 = tpu.vector_load %arg12[%swap3A_286] {strides = array<i32>} : memref<4096xf32, #tpu.memory_space<vmem>>, vector<16xf32>,
        tpu.vector_store %arg12[%swap3A_286], %gather3A_283 {strides = array<i32>} : memref<4096xf32, #tpu.memory_space<vmem>>, vector<16xf32>,
        %scan3A_288 = arith.constant 0 : i32
        %scan3A_289 = arith.constant 2 : i32
        %scan3A_290 = arith.addi %scan3A_268, %scan3A_289 : i32
        %mul3A_291 = arith.constant 16 : i32
        %mul3A_292 = arith.muli %scan3A_290, %mul3A_291 : i32
        %get3A_293 = arith.index_cast %mul3A_292 : i32 to index
        %get3A_294 = tpu.vector_load %arg7[%get3A_293] {strides = array<i32>} : memref<4096xi32, #tpu.memory_space<vmem>>, vector<16xi32>,
        %gather3A_295 = tpu.vector_load_idx %arg10[%get3A_294] : memref<16384xf32, #tpu.memory_space<vmem>>[vector<16xi32>], vector<16xf32>,
        %mul3A_296 = arith.constant 16 : i32
        %mul3A_297 = arith.muli %scan3A_290, %mul3A_296 : i32
        %swap3A_298 = arith.index_cast %mul3A_297 : i32 to index
        %swap3A_299 = tpu.vector_load %arg12[%swap3A_298] {strides = array<i32>} : memref<4096xf32, #tpu.memory_space<vmem>>, vector<16xf32>,
        tpu.vector_store %arg12[%swap3A_298], %gather3A_295 {strides = array<i32>} : memref<4096xf32, #tpu.memory_space<vmem>>, vector<16xf32>,
        %scan3A_300 = arith.constant 0 : i32
        %scan3A_301 = arith.constant 3 : i32
        %scan3A_302 = arith.addi %scan3A_268, %scan3A_301 : i32
        %mul3A_303 = arith.constant 16 : i32
        %mul3A_304 = arith.muli %scan3A_302, %mul3A_303 : i32
        %get3A_305 = arith.index_cast %mul3A_304 : i32 to index
        %get3A_306 = tpu.vector_load %arg7[%get3A_305] {strides = array<i32>} : memref<4096xi32, #tpu.memory_space<vmem>>, vector<16xi32>,
        %gather3A_307 = tpu.vector_load_idx %arg10[%get3A_306] : memref<16384xf32, #tpu.memory_space<vmem>>[vector<16xi32>], vector<16xf32>,
        %mul3A_308 = arith.constant 16 : i32
        %mul3A_309 = arith.muli %scan3A_302, %mul3A_308 : i32
        %swap3A_310 = arith.index_cast %mul3A_309 : i32 to index
        %swap3A_311 = tpu.vector_load %arg12[%swap3A_310] {strides = array<i32>} : memref<4096xf32, #tpu.memory_space<vmem>>, vector<16xf32>,
        tpu.vector_store %arg12[%swap3A_310], %gather3A_307 {strides = array<i32>} : memref<4096xf32, #tpu.memory_space<vmem>>, vector<16xf32>,
        %scan3A_312 = arith.constant 0 : i32
        %scan3A_313 = arith.constant 4 : i32
        %scan3A_314 = arith.addi %scan3A_268, %scan3A_313 : i32
        %mul3A_315 = arith.constant 16 : i32
        %mul3A_316 = arith.muli %scan3A_314, %mul3A_315 : i32
        %get3A_317 = arith.index_cast %mul3A_316 : i32 to index
        %get3A_318 = tpu.vector_load %arg7[%get3A_317] {strides = array<i32>} : memref<4096xi32, #tpu.memory_space<vmem>>, vector<16xi32>,
        %gather3A_319 = tpu.vector_load_idx %arg10[%get3A_318] : memref<16384xf32, #tpu.memory_space<vmem>>[vector<16xi32>], vector<16xf32>,
        %mul3A_320 = arith.constant 16 : i32
        %mul3A_321 = arith.muli %scan3A_314, %mul3A_320 : i32
        %swap3A_322 = arith.index_cast %mul3A_321 : i32 to index
        %swap3A_323 = tpu.vector_load %arg12[%swap3A_322] {strides = array<i32>} : memref<4096xf32, #tpu.memory_space<vmem>>, vector<16xf32>,
        tpu.vector_store %arg12[%swap3A_322], %gather3A_319 {strides = array<i32>} : memref<4096xf32, #tpu.memory_space<vmem>>, vector<16xf32>,
        %scan3A_324 = arith.constant 0 : i32
        %scan3A_325 = arith.constant 5 : i32
        %scan3A_326 = arith.addi %scan3A_268, %scan3A_325 : i32
        %mul3A_327 = arith.constant 16 : i32
        %mul3A_328 = arith.muli %scan3A_326, %mul3A_327 : i32
        %get3A_329 = arith.index_cast %mul3A_328 : i32 to index
        %get3A_330 = tpu.vector_load %arg7[%get3A_329] {strides = array<i32>} : memref<4096xi32, #tpu.memory_space<vmem>>, vector<16xi32>,
        %gather3A_331 = tpu.vector_load_idx %arg10[%get3A_330] : memref<16384xf32, #tpu.memory_space<vmem>>[vector<16xi32>], vector<16xf32>,
        %mul3A_332 = arith.constant 16 : i32
        %mul3A_333 = arith.muli %scan3A_326, %mul3A_332 : i32
        %swap3A_334 = arith.index_cast %mul3A_333 : i32 to index
        %swap3A_335 = tpu.vector_load %arg12[%swap3A_334] {strides = array<i32>} : memref<4096xf32, #tpu.memory_space<vmem>>, vector<16xf32>,
        tpu.vector_store %arg12[%swap3A_334], %gather3A_331 {strides = array<i32>} : memref<4096xf32, #tpu.memory_space<vmem>>, vector<16xf32>,
        %scan3A_336 = arith.constant 0 : i32
        %scan3A_337 = arith.constant 6 : i32
        %scan3A_338 = arith.addi %scan3A_268, %scan3A_337 : i32
        %mul3A_339 = arith.constant 16 : i32
        %mul3A_340 = arith.muli %scan3A_338, %mul3A_339 : i32
        %get3A_341 = arith.index_cast %mul3A_340 : i32 to index
        %get3A_342 = tpu.vector_load %arg7[%get3A_341] {strides = array<i32>} : memref<4096xi32, #tpu.memory_space<vmem>>, vector<16xi32>,
        %gather3A_343 = tpu.vector_load_idx %arg10[%get3A_342] : memref<16384xf32, #tpu.memory_space<vmem>>[vector<16xi32>], vector<16xf32>,
        %mul3A_344 = arith.constant 16 : i32
        %mul3A_345 = arith.muli %scan3A_338, %mul3A_344 : i32
        %swap3A_346 = arith.index_cast %mul3A_345 : i32 to index
        %swap3A_347 = tpu.vector_load %arg12[%swap3A_346] {strides = array<i32>} : memref<4096xf32, #tpu.memory_space<vmem>>, vector<16xf32>,
        tpu.vector_store %arg12[%swap3A_346], %gather3A_343 {strides = array<i32>} : memref<4096xf32, #tpu.memory_space<vmem>>, vector<16xf32>,
        %scan3A_348 = arith.constant 0 : i32
        %scan3A_349 = arith.constant 7 : i32
        %scan3A_350 = arith.addi %scan3A_268, %scan3A_349 : i32
        %mul3A_351 = arith.constant 16 : i32
        %mul3A_352 = arith.muli %scan3A_350, %mul3A_351 : i32
        %get3A_353 = arith.index_cast %mul3A_352 : i32 to index
        %get3A_354 = tpu.vector_load %arg7[%get3A_353] {strides = array<i32>} : memref<4096xi32, #tpu.memory_space<vmem>>, vector<16xi32>,
        %gather3A_355 = tpu.vector_load_idx %arg10[%get3A_354] : memref<16384xf32, #tpu.memory_space<vmem>>[vector<16xi32>], vector<16xf32>,
        %mul3A_356 = arith.constant 16 : i32
        %mul3A_357 = arith.muli %scan3A_350, %mul3A_356 : i32
        %swap3A_358 = arith.index_cast %mul3A_357 : i32 to index
        %swap3A_359 = tpu.vector_load %arg12[%swap3A_358] {strides = array<i32>} : memref<4096xf32, #tpu.memory_space<vmem>>, vector<16xf32>,
        tpu.vector_store %arg12[%swap3A_358], %gather3A_355 {strides = array<i32>} : memref<4096xf32, #tpu.memory_space<vmem>>, vector<16xf32>,
        %scan3A_360 = arith.constant 0 : i32
        scf.yield %scan3A_360 : i32
      }
      %scan3A_208 = arith.constant 256 : i32
      %dma_start3A_209 = arith.constant 0 : i32
      %dma_start3A_210 = tpu.memref_slice %arg5[%add3A_186, %dma_start3A_209] : memref<1536x4096xf32, #tpu.memory_space<hbm>> -> memref<1x4096xf32, #tpu.memory_space<hbm>>
      %dma_start3A_211 = tpu.memref_squeeze %dma_start3A_210 : memref<1x4096xf32, #tpu.memory_space<hbm>> -> memref<4096xf32, #tpu.memory_space<hbm>>
      %dma_start3A_212 = arith.constant 0 : i32
      %dma_start3A_213 = tpu.memref_slice %arg5[%add3A_186, %dma_start3A_212] : memref<1536x4096xf32, #tpu.memory_space<hbm>> -> memref<1x4096xf32, #tpu.memory_space<hbm>>
      %dma_start3A_214 = tpu.memref_squeeze %dma_start3A_213 : memref<1x4096xf32, #tpu.memory_space<hbm>> -> memref<4096xf32, #tpu.memory_space<hbm>>
      tpu.enqueue_dma source(%arg12 : memref<4096xf32, #tpu.memory_space<vmem>>) target(%dma_start3A_214 : memref<4096xf32, #tpu.memory_space<hbm>>) target_semaphore(%arg15 : memref<!tpu.dma_semaphore, #tpu.memory_space<semaphore_mem>>)
      %mul3A_215 = arith.constant 4 : i32
      %mul3A_216 = arith.muli %mul3A_215, %scan3A_102 : i32
      %add3A_217 = arith.constant 2 : i32
      %add3A_218 = arith.addi %mul3A_216, %add3A_217 : i32
      %add3A_219 = arith.constant 3 : i32
      %add3A_220 = arith.addi %add3A_218, %add3A_219 : i32
      %lt3A_221 = arith.constant 48 : i32
      %lt3A_222 = arith.cmpi slt, %add3A_220, %lt3A_221 : i32
      %convert_element_type3A_223 = arith.extui %lt3A_222 : i1 to i32
      %cond3A_224 = arith.constant 0 : i32
      %cond3A_225 = arith.cmpi ne, %convert_element_type3A_223, %cond3A_224 : i32
      scf.if %cond3A_225 {
        %add3A_268 = arith.constant 3 : i32
        %add3A_269 = arith.addi %add3A_186, %add3A_268 : i32
        %dma_start3A_270 = arith.constant 0 : i32
        %dma_start3A_271 = tpu.memref_slice %arg2[%add3A_269, %dma_start3A_270] : memref<1536x16384xf32, #tpu.memory_space<hbm>> -> memref<1x16384xf32, #tpu.memory_space<hbm>>
        %dma_start3A_272 = tpu.memref_squeeze %dma_start3A_271 : memref<1x16384xf32, #tpu.memory_space<hbm>> -> memref<16384xf32, #tpu.memory_space<hbm>>
        %dma_start3A_273 = arith.constant 0 : i32
        %dma_start3A_274 = tpu.memref_slice %arg2[%add3A_269, %dma_start3A_273] : memref<1536x16384xf32, #tpu.memory_space<hbm>> -> memref<1x16384xf32, #tpu.memory_space<hbm>>
        %dma_start3A_275 = tpu.memref_squeeze %dma_start3A_274 : memref<1x16384xf32, #tpu.memory_space<hbm>> -> memref<16384xf32, #tpu.memory_space<hbm>>
        tpu.enqueue_dma source(%dma_start3A_275 : memref<16384xf32, #tpu.memory_space<hbm>>) target(%arg9 : memref<16384xf32, #tpu.memory_space<vmem>>) target_semaphore(%arg14 : memref<!tpu.dma_semaphore, #tpu.memory_space<semaphore_mem>>)
      } else {
      }
      %add3A_226 = arith.constant 3 : i32
      %add3A_227 = arith.addi %add3A_106, %add3A_226 : i32
      %dma_wait3A_228 = arith.constant 0 : i32
      %dma_wait3A_229 = tpu.memref_slice %arg2[%mul3A_2, %dma_wait3A_228] : memref<1536x16384xf32, #tpu.memory_space<hbm>> -> memref<1x16384xf32, #tpu.memory_space<hbm>>
      %dma_wait3A_230 = tpu.memref_squeeze %dma_wait3A_229 : memref<1x16384xf32, #tpu.memory_space<hbm>> -> memref<16384xf32, #tpu.memory_space<hbm>>
      %dma_wait3A_231 = arith.constant 0 : i32
      %dma_wait3A_232 = tpu.memref_slice %arg2[%mul3A_2, %dma_wait3A_231] : memref<1536x16384xf32, #tpu.memory_space<hbm>> -> memref<1x16384xf32, #tpu.memory_space<hbm>>
      %dma_wait3A_233 = tpu.memref_squeeze %dma_wait3A_232 : memref<1x16384xf32, #tpu.memory_space<hbm>> -> memref<16384xf32, #tpu.memory_space<hbm>>
      tpu.wait_dma2 semaphore(%arg14 : memref<!tpu.dma_semaphore, #tpu.memory_space<semaphore_mem>>) src(%dma_wait3A_233 : memref<16384xf32, #tpu.memory_space<hbm>>) dst(%arg11 : memref<16384xf32, #tpu.memory_space<vmem>>)
      %mul3A_234 = arith.constant 4 : i32
      %mul3A_235 = arith.muli %mul3A_234, %scan3A_102 : i32
      %add3A_236 = arith.constant 3 : i32
      %add3A_237 = arith.addi %mul3A_235, %add3A_236 : i32
      %ge3A_238 = arith.constant 2 : i32
      %ge3A_239 = arith.cmpi sge, %add3A_237, %ge3A_238 : i32
      %convert_element_type3A_240 = arith.extui %ge3A_239 : i1 to i32
      %cond3A_241 = arith.constant 0 : i32
      %cond3A_242 = arith.cmpi ne, %convert_element_type3A_240, %cond3A_241 : i32
      scf.if %cond3A_242 {
        %dma_wait3A_268 = arith.constant 0 : i32
        %dma_wait3A_269 = tpu.memref_slice %arg5[%add3A_106, %dma_wait3A_268] : memref<1536x4096xf32, #tpu.memory_space<hbm>> -> memref<1x4096xf32, #tpu.memory_space<hbm>>
        %dma_wait3A_270 = tpu.memref_squeeze %dma_wait3A_269 : memref<1x4096xf32, #tpu.memory_space<hbm>> -> memref<4096xf32, #tpu.memory_space<hbm>>
        %dma_wait3A_271 = arith.constant 0 : i32
        %dma_wait3A_272 = tpu.memref_slice %arg5[%add3A_106, %dma_wait3A_271] : memref<1536x4096xf32, #tpu.memory_space<hbm>> -> memref<1x4096xf32, #tpu.memory_space<hbm>>
        %dma_wait3A_273 = tpu.memref_squeeze %dma_wait3A_272 : memref<1x4096xf32, #tpu.memory_space<hbm>> -> memref<4096xf32, #tpu.memory_space<hbm>>
        tpu.wait_dma2 semaphore(%arg16 : memref<!tpu.dma_semaphore, #tpu.memory_space<semaphore_mem>>) src(%arg13 : memref<4096xf32, #tpu.memory_space<vmem>>) dst(%dma_wait3A_273 : memref<4096xf32, #tpu.memory_space<hbm>>)
      } else {
      }
      %scan3A_243 = arith.constant 0 : i32
      %scan3A_244 = arith.constant 0 : i32
      %scan3A_245 = arith.constant 256 : i32
      %scan3A_246 = arith.addi %scan3A_244, %scan3A_245 : i32
      %scan3A_247 = arith.constant 8 : i32
      %scan3A_248 = scf.for %scan3A_268 = %scan3A_244 to %scan3A_246 step %scan3A_247 iter_args(%scan3A_269 = %scan3A_243) -> (i32)  : i32 {
        %mul3A_270 = arith.constant 16 : i32
        %mul3A_271 = arith.muli %scan3A_268, %mul3A_270 : i32
        %get3A = arith.index_cast %mul3A_271 : i32 to index
        %get3A_272 = tpu.vector_load %arg7[%get3A] {strides = array<i32>} : memref<4096xi32, #tpu.memory_space<vmem>>, vector<16xi32>,
        %gather3A = tpu.vector_load_idx %arg11[%get3A_272] : memref<16384xf32, #tpu.memory_space<vmem>>[vector<16xi32>], vector<16xf32>,
        %mul3A_273 = arith.constant 16 : i32
        %mul3A_274 = arith.muli %scan3A_268, %mul3A_273 : i32
        %swap3A = arith.index_cast %mul3A_274 : i32 to index
        %swap3A_275 = tpu.vector_load %arg13[%swap3A] {strides = array<i32>} : memref<4096xf32, #tpu.memory_space<vmem>>, vector<16xf32>,
        tpu.vector_store %arg13[%swap3A], %gather3A {strides = array<i32>} : memref<4096xf32, #tpu.memory_space<vmem>>, vector<16xf32>,
        %scan3A_276 = arith.constant 0 : i32
        %scan3A_277 = arith.constant 1 : i32
        %scan3A_278 = arith.addi %scan3A_268, %scan3A_277 : i32
        %mul3A_279 = arith.constant 16 : i32
        %mul3A_280 = arith.muli %scan3A_278, %mul3A_279 : i32
        %get3A_281 = arith.index_cast %mul3A_280 : i32 to index
        %get3A_282 = tpu.vector_load %arg7[%get3A_281] {strides = array<i32>} : memref<4096xi32, #tpu.memory_space<vmem>>, vector<16xi32>,
        %gather3A_283 = tpu.vector_load_idx %arg11[%get3A_282] : memref<16384xf32, #tpu.memory_space<vmem>>[vector<16xi32>], vector<16xf32>,
        %mul3A_284 = arith.constant 16 : i32
        %mul3A_285 = arith.muli %scan3A_278, %mul3A_284 : i32
        %swap3A_286 = arith.index_cast %mul3A_285 : i32 to index
        %swap3A_287 = tpu.vector_load %arg13[%swap3A_286] {strides = array<i32>} : memref<4096xf32, #tpu.memory_space<vmem>>, vector<16xf32>,
        tpu.vector_store %arg13[%swap3A_286], %gather3A_283 {strides = array<i32>} : memref<4096xf32, #tpu.memory_space<vmem>>, vector<16xf32>,
        %scan3A_288 = arith.constant 0 : i32
        %scan3A_289 = arith.constant 2 : i32
        %scan3A_290 = arith.addi %scan3A_268, %scan3A_289 : i32
        %mul3A_291 = arith.constant 16 : i32
        %mul3A_292 = arith.muli %scan3A_290, %mul3A_291 : i32
        %get3A_293 = arith.index_cast %mul3A_292 : i32 to index
        %get3A_294 = tpu.vector_load %arg7[%get3A_293] {strides = array<i32>} : memref<4096xi32, #tpu.memory_space<vmem>>, vector<16xi32>,
        %gather3A_295 = tpu.vector_load_idx %arg11[%get3A_294] : memref<16384xf32, #tpu.memory_space<vmem>>[vector<16xi32>], vector<16xf32>,
        %mul3A_296 = arith.constant 16 : i32
        %mul3A_297 = arith.muli %scan3A_290, %mul3A_296 : i32
        %swap3A_298 = arith.index_cast %mul3A_297 : i32 to index
        %swap3A_299 = tpu.vector_load %arg13[%swap3A_298] {strides = array<i32>} : memref<4096xf32, #tpu.memory_space<vmem>>, vector<16xf32>,
        tpu.vector_store %arg13[%swap3A_298], %gather3A_295 {strides = array<i32>} : memref<4096xf32, #tpu.memory_space<vmem>>, vector<16xf32>,
        %scan3A_300 = arith.constant 0 : i32
        %scan3A_301 = arith.constant 3 : i32
        %scan3A_302 = arith.addi %scan3A_268, %scan3A_301 : i32
        %mul3A_303 = arith.constant 16 : i32
        %mul3A_304 = arith.muli %scan3A_302, %mul3A_303 : i32
        %get3A_305 = arith.index_cast %mul3A_304 : i32 to index
        %get3A_306 = tpu.vector_load %arg7[%get3A_305] {strides = array<i32>} : memref<4096xi32, #tpu.memory_space<vmem>>, vector<16xi32>,
        %gather3A_307 = tpu.vector_load_idx %arg11[%get3A_306] : memref<16384xf32, #tpu.memory_space<vmem>>[vector<16xi32>], vector<16xf32>,
        %mul3A_308 = arith.constant 16 : i32
        %mul3A_309 = arith.muli %scan3A_302, %mul3A_308 : i32
        %swap3A_310 = arith.index_cast %mul3A_309 : i32 to index
        %swap3A_311 = tpu.vector_load %arg13[%swap3A_310] {strides = array<i32>} : memref<4096xf32, #tpu.memory_space<vmem>>, vector<16xf32>,
        tpu.vector_store %arg13[%swap3A_310], %gather3A_307 {strides = array<i32>} : memref<4096xf32, #tpu.memory_space<vmem>>, vector<16xf32>,
        %scan3A_312 = arith.constant 0 : i32
        %scan3A_313 = arith.constant 4 : i32
        %scan3A_314 = arith.addi %scan3A_268, %scan3A_313 : i32
        %mul3A_315 = arith.constant 16 : i32
        %mul3A_316 = arith.muli %scan3A_314, %mul3A_315 : i32
        %get3A_317 = arith.index_cast %mul3A_316 : i32 to index
        %get3A_318 = tpu.vector_load %arg7[%get3A_317] {strides = array<i32>} : memref<4096xi32, #tpu.memory_space<vmem>>, vector<16xi32>,
        %gather3A_319 = tpu.vector_load_idx %arg11[%get3A_318] : memref<16384xf32, #tpu.memory_space<vmem>>[vector<16xi32>], vector<16xf32>,
        %mul3A_320 = arith.constant 16 : i32
        %mul3A_321 = arith.muli %scan3A_314, %mul3A_320 : i32
        %swap3A_322 = arith.index_cast %mul3A_321 : i32 to index
        %swap3A_323 = tpu.vector_load %arg13[%swap3A_322] {strides = array<i32>} : memref<4096xf32, #tpu.memory_space<vmem>>, vector<16xf32>,
        tpu.vector_store %arg13[%swap3A_322], %gather3A_319 {strides = array<i32>} : memref<4096xf32, #tpu.memory_space<vmem>>, vector<16xf32>,
        %scan3A_324 = arith.constant 0 : i32
        %scan3A_325 = arith.constant 5 : i32
        %scan3A_326 = arith.addi %scan3A_268, %scan3A_325 : i32
        %mul3A_327 = arith.constant 16 : i32
        %mul3A_328 = arith.muli %scan3A_326, %mul3A_327 : i32
        %get3A_329 = arith.index_cast %mul3A_328 : i32 to index
        %get3A_330 = tpu.vector_load %arg7[%get3A_329] {strides = array<i32>} : memref<4096xi32, #tpu.memory_space<vmem>>, vector<16xi32>,
        %gather3A_331 = tpu.vector_load_idx %arg11[%get3A_330] : memref<16384xf32, #tpu.memory_space<vmem>>[vector<16xi32>], vector<16xf32>,
        %mul3A_332 = arith.constant 16 : i32
        %mul3A_333 = arith.muli %scan3A_326, %mul3A_332 : i32
        %swap3A_334 = arith.index_cast %mul3A_333 : i32 to index
        %swap3A_335 = tpu.vector_load %arg13[%swap3A_334] {strides = array<i32>} : memref<4096xf32, #tpu.memory_space<vmem>>, vector<16xf32>,
        tpu.vector_store %arg13[%swap3A_334], %gather3A_331 {strides = array<i32>} : memref<4096xf32, #tpu.memory_space<vmem>>, vector<16xf32>,
        %scan3A_336 = arith.constant 0 : i32
        %scan3A_337 = arith.constant 6 : i32
        %scan3A_338 = arith.addi %scan3A_268, %scan3A_337 : i32
        %mul3A_339 = arith.constant 16 : i32
        %mul3A_340 = arith.muli %scan3A_338, %mul3A_339 : i32
        %get3A_341 = arith.index_cast %mul3A_340 : i32 to index
        %get3A_342 = tpu.vector_load %arg7[%get3A_341] {strides = array<i32>} : memref<4096xi32, #tpu.memory_space<vmem>>, vector<16xi32>,
        %gather3A_343 = tpu.vector_load_idx %arg11[%get3A_342] : memref<16384xf32, #tpu.memory_space<vmem>>[vector<16xi32>], vector<16xf32>,
        %mul3A_344 = arith.constant 16 : i32
        %mul3A_345 = arith.muli %scan3A_338, %mul3A_344 : i32
        %swap3A_346 = arith.index_cast %mul3A_345 : i32 to index
        %swap3A_347 = tpu.vector_load %arg13[%swap3A_346] {strides = array<i32>} : memref<4096xf32, #tpu.memory_space<vmem>>, vector<16xf32>,
        tpu.vector_store %arg13[%swap3A_346], %gather3A_343 {strides = array<i32>} : memref<4096xf32, #tpu.memory_space<vmem>>, vector<16xf32>,
        %scan3A_348 = arith.constant 0 : i32
        %scan3A_349 = arith.constant 7 : i32
        %scan3A_350 = arith.addi %scan3A_268, %scan3A_349 : i32
        %mul3A_351 = arith.constant 16 : i32
        %mul3A_352 = arith.muli %scan3A_350, %mul3A_351 : i32
        %get3A_353 = arith.index_cast %mul3A_352 : i32 to index
        %get3A_354 = tpu.vector_load %arg7[%get3A_353] {strides = array<i32>} : memref<4096xi32, #tpu.memory_space<vmem>>, vector<16xi32>,
        %gather3A_355 = tpu.vector_load_idx %arg11[%get3A_354] : memref<16384xf32, #tpu.memory_space<vmem>>[vector<16xi32>], vector<16xf32>,
        %mul3A_356 = arith.constant 16 : i32
        %mul3A_357 = arith.muli %scan3A_350, %mul3A_356 : i32
        %swap3A_358 = arith.index_cast %mul3A_357 : i32 to index
        %swap3A_359 = tpu.vector_load %arg13[%swap3A_358] {strides = array<i32>} : memref<4096xf32, #tpu.memory_space<vmem>>, vector<16xf32>,
        tpu.vector_store %arg13[%swap3A_358], %gather3A_355 {strides = array<i32>} : memref<4096xf32, #tpu.memory_space<vmem>>, vector<16xf32>,
        %scan3A_360 = arith.constant 0 : i32
        scf.yield %scan3A_360 : i32
      }
      %scan3A_249 = arith.constant 256 : i32
      %dma_start3A_250 = arith.constant 0 : i32
      %dma_start3A_251 = tpu.memref_slice %arg5[%add3A_227, %dma_start3A_250] : memref<1536x4096xf32, #tpu.memory_space<hbm>> -> memref<1x4096xf32, #tpu.memory_space<hbm>>
      %dma_start3A_252 = tpu.memref_squeeze %dma_start3A_251 : memref<1x4096xf32, #tpu.memory_space<hbm>> -> memref<4096xf32, #tpu.memory_space<hbm>>
      %dma_start3A_253 = arith.constant 0 : i32
      %dma_start3A_254 = tpu.memref_slice %arg5[%add3A_227, %dma_start3A_253] : memref<1536x4096xf32, #tpu.memory_space<hbm>> -> memref<1x4096xf32, #tpu.memory_space<hbm>>
      %dma_start3A_255 = tpu.memref_squeeze %dma_start3A_254 : memref<1x4096xf32, #tpu.memory_space<hbm>> -> memref<4096xf32, #tpu.memory_space<hbm>>
      tpu.enqueue_dma source(%arg13 : memref<4096xf32, #tpu.memory_space<vmem>>) target(%dma_start3A_255 : memref<4096xf32, #tpu.memory_space<hbm>>) target_semaphore(%arg16 : memref<!tpu.dma_semaphore, #tpu.memory_space<semaphore_mem>>)
      %mul3A_256 = arith.constant 4 : i32
      %mul3A_257 = arith.muli %mul3A_256, %scan3A_102 : i32
      %add3A_258 = arith.constant 3 : i32
      %add3A_259 = arith.addi %mul3A_257, %add3A_258 : i32
      %add3A_260 = arith.constant 3 : i32
      %add3A_261 = arith.addi %add3A_259, %add3A_260 : i32
      %lt3A_262 = arith.constant 48 : i32
      %lt3A_263 = arith.cmpi slt, %add3A_261, %lt3A_262 : i32
      %convert_element_type3A_264 = arith.extui %lt3A_263 : i1 to i32
      %cond3A_265 = arith.constant 0 : i32
      %cond3A_266 = arith.cmpi ne, %convert_element_type3A_264, %cond3A_265 : i32
      scf.if %cond3A_266 {
        %add3A_268 = arith.constant 3 : i32
        %add3A_269 = arith.addi %add3A_227, %add3A_268 : i32
        %dma_start3A_270 = arith.constant 0 : i32
        %dma_start3A_271 = tpu.memref_slice %arg2[%add3A_269, %dma_start3A_270] : memref<1536x16384xf32, #tpu.memory_space<hbm>> -> memref<1x16384xf32, #tpu.memory_space<hbm>>
        %dma_start3A_272 = tpu.memref_squeeze %dma_start3A_271 : memref<1x16384xf32, #tpu.memory_space<hbm>> -> memref<16384xf32, #tpu.memory_space<hbm>>
        %dma_start3A_273 = arith.constant 0 : i32
        %dma_start3A_274 = tpu.memref_slice %arg2[%add3A_269, %dma_start3A_273] : memref<1536x16384xf32, #tpu.memory_space<hbm>> -> memref<1x16384xf32, #tpu.memory_space<hbm>>
        %dma_start3A_275 = tpu.memref_squeeze %dma_start3A_274 : memref<1x16384xf32, #tpu.memory_space<hbm>> -> memref<16384xf32, #tpu.memory_space<hbm>>
        tpu.enqueue_dma source(%dma_start3A_275 : memref<16384xf32, #tpu.memory_space<hbm>>) target(%arg10 : memref<16384xf32, #tpu.memory_space<vmem>>) target_semaphore(%arg14 : memref<!tpu.dma_semaphore, #tpu.memory_space<semaphore_mem>>)
      } else {
      }
      %scan3A_267 = arith.constant 0 : i32
      scf.yield %scan3A_267 : i32
    }
    %scan3A_47 = arith.constant 12 : i32
    %dma_wait3A = arith.constant 0 : i32
    %dma_wait3A_48 = tpu.memref_slice %arg5[%mul3A_2, %dma_wait3A] : memref<1536x4096xf32, #tpu.memory_space<hbm>> -> memref<1x4096xf32, #tpu.memory_space<hbm>>
    %dma_wait3A_49 = tpu.memref_squeeze %dma_wait3A_48 : memref<1x4096xf32, #tpu.memory_space<hbm>> -> memref<4096xf32, #tpu.memory_space<hbm>>
    %dma_wait3A_50 = arith.constant 0 : i32
    %dma_wait3A_51 = tpu.memref_slice %arg5[%mul3A_2, %dma_wait3A_50] : memref<1536x4096xf32, #tpu.memory_space<hbm>> -> memref<1x4096xf32, #tpu.memory_space<hbm>>
    %dma_wait3A_52 = tpu.memref_squeeze %dma_wait3A_51 : memref<1x4096xf32, #tpu.memory_space<hbm>> -> memref<4096xf32, #tpu.memory_space<hbm>>
    tpu.wait_dma2 semaphore(%arg15 : memref<!tpu.dma_semaphore, #tpu.memory_space<semaphore_mem>>) src(%arg12 : memref<4096xf32, #tpu.memory_space<vmem>>) dst(%dma_wait3A_52 : memref<4096xf32, #tpu.memory_space<hbm>>)
    %dma_wait3A_53 = arith.constant 0 : i32
    %dma_wait3A_54 = tpu.memref_slice %arg5[%mul3A_2, %dma_wait3A_53] : memref<1536x4096xf32, #tpu.memory_space<hbm>> -> memref<1x4096xf32, #tpu.memory_space<hbm>>
    %dma_wait3A_55 = tpu.memref_squeeze %dma_wait3A_54 : memref<1x4096xf32, #tpu.memory_space<hbm>> -> memref<4096xf32, #tpu.memory_space<hbm>>
    %dma_wait3A_56 = arith.constant 0 : i32
    %dma_wait3A_57 = tpu.memref_slice %arg5[%mul3A_2, %dma_wait3A_56] : memref<1536x4096xf32, #tpu.memory_space<hbm>> -> memref<1x4096xf32, #tpu.memory_space<hbm>>
    %dma_wait3A_58 = tpu.memref_squeeze %dma_wait3A_57 : memref<1x4096xf32, #tpu.memory_space<hbm>> -> memref<4096xf32, #tpu.memory_space<hbm>>
    tpu.wait_dma2 semaphore(%arg16 : memref<!tpu.dma_semaphore, #tpu.memory_space<semaphore_mem>>) src(%arg13 : memref<4096xf32, #tpu.memory_space<vmem>>) dst(%dma_wait3A_58 : memref<4096xf32, #tpu.memory_space<hbm>>)
    %add3A_59 = arith.constant 0 : i32
    %add3A_60 = arith.addi %mul3A_2, %add3A_59 : i32
    %dma_start3A_61 = arith.constant 0 : i32
    %dma_start3A_62 = tpu.memref_slice %arg3[%add3A_60, %dma_start3A_61] : memref<1536x16384xf32, #tpu.memory_space<hbm>> -> memref<1x16384xf32, #tpu.memory_space<hbm>>
    %dma_start3A_63 = tpu.memref_squeeze %dma_start3A_62 : memref<1x16384xf32, #tpu.memory_space<hbm>> -> memref<16384xf32, #tpu.memory_space<hbm>>
    %dma_start3A_64 = arith.constant 0 : i32
    %dma_start3A_65 = tpu.memref_slice %arg3[%add3A_60, %dma_start3A_64] : memref<1536x16384xf32, #tpu.memory_space<hbm>> -> memref<1x16384xf32, #tpu.memory_space<hbm>>
    %dma_start3A_66 = tpu.memref_squeeze %dma_start3A_65 : memref<1x16384xf32, #tpu.memory_space<hbm>> -> memref<16384xf32, #tpu.memory_space<hbm>>
    tpu.enqueue_dma source(%dma_start3A_66 : memref<16384xf32, #tpu.memory_space<hbm>>) target(%arg8 : memref<16384xf32, #tpu.memory_space<vmem>>) target_semaphore(%arg14 : memref<!tpu.dma_semaphore, #tpu.memory_space<semaphore_mem>>)
    %add3A_67 = arith.constant 1 : i32
    %add3A_68 = arith.addi %mul3A_2, %add3A_67 : i32
    %dma_start3A_69 = arith.constant 0 : i32
    %dma_start3A_70 = tpu.memref_slice %arg3[%add3A_68, %dma_start3A_69] : memref<1536x16384xf32, #tpu.memory_space<hbm>> -> memref<1x16384xf32, #tpu.memory_space<hbm>>
    %dma_start3A_71 = tpu.memref_squeeze %dma_start3A_70 : memref<1x16384xf32, #tpu.memory_space<hbm>> -> memref<16384xf32, #tpu.memory_space<hbm>>
    %dma_start3A_72 = arith.constant 0 : i32
    %dma_start3A_73 = tpu.memref_slice %arg3[%add3A_68, %dma_start3A_72] : memref<1536x16384xf32, #tpu.memory_space<hbm>> -> memref<1x16384xf32, #tpu.memory_space<hbm>>
    %dma_start3A_74 = tpu.memref_squeeze %dma_start3A_73 : memref<1x16384xf32, #tpu.memory_space<hbm>> -> memref<16384xf32, #tpu.memory_space<hbm>>
    tpu.enqueue_dma source(%dma_start3A_74 : memref<16384xf32, #tpu.memory_space<hbm>>) target(%arg9 : memref<16384xf32, #tpu.memory_space<vmem>>) target_semaphore(%arg14 : memref<!tpu.dma_semaphore, #tpu.memory_space<semaphore_mem>>)
    %add3A_75 = arith.constant 2 : i32
    %add3A_76 = arith.addi %mul3A_2, %add3A_75 : i32
    %dma_start3A_77 = arith.constant 0 : i32
    %dma_start3A_78 = tpu.memref_slice %arg3[%add3A_76, %dma_start3A_77] : memref<1536x16384xf32, #tpu.memory_space<hbm>> -> memref<1x16384xf32, #tpu.memory_space<hbm>>
    %dma_start3A_79 = tpu.memref_squeeze %dma_start3A_78 : memref<1x16384xf32, #tpu.memory_space<hbm>> -> memref<16384xf32, #tpu.memory_space<hbm>>
    %dma_start3A_80 = arith.constant 0 : i32
    %dma_start3A_81 = tpu.memref_slice %arg3[%add3A_76, %dma_start3A_80] : memref<1536x16384xf32, #tpu.memory_space<hbm>> -> memref<1x16384xf32, #tpu.memory_space<hbm>>
    %dma_start3A_82 = tpu.memref_squeeze %dma_start3A_81 : memref<1x16384xf32, #tpu.memory_space<hbm>> -> memref<16384xf32, #tpu.memory_space<hbm>>
    tpu.enqueue_dma source(%dma_start3A_82 : memref<16384xf32, #tpu.memory_space<hbm>>) target(%arg10 : memref<16384xf32, #tpu.memory_space<vmem>>) target_semaphore(%arg14 : memref<!tpu.dma_semaphore, #tpu.memory_space<semaphore_mem>>)
    %scan3A_83 = arith.constant 0 : i32
    %scan3A_84 = arith.constant 0 : i32
    %scan3A_85 = arith.constant 12 : i32
    %scan3A_86 = arith.addi %scan3A_84, %scan3A_85 : i32
    %scan3A_87 = arith.constant 1 : i32
    %scan3A_88 = scf.for %scan3A_102 = %scan3A_84 to %scan3A_86 step %scan3A_87 iter_args(%scan3A_103 = %scan3A_83) -> (i32)  : i32 {
      %mul3A_104 = arith.constant 4 : i32
      %mul3A_105 = arith.muli %mul3A_104, %scan3A_102 : i32
      %add3A_106 = arith.addi %mul3A_2, %mul3A_105 : i32
      %add3A_107 = arith.constant 0 : i32
      %add3A_108 = arith.addi %add3A_106, %add3A_107 : i32
      %dma_wait3A_109 = arith.constant 0 : i32
      %dma_wait3A_110 = tpu.memref_slice %arg3[%mul3A_2, %dma_wait3A_109] : memref<1536x16384xf32, #tpu.memory_space<hbm>> -> memref<1x16384xf32, #tpu.memory_space<hbm>>
      %dma_wait3A_111 = tpu.memref_squeeze %dma_wait3A_110 : memref<1x16384xf32, #tpu.memory_space<hbm>> -> memref<16384xf32, #tpu.memory_space<hbm>>
      %dma_wait3A_112 = arith.constant 0 : i32
      %dma_wait3A_113 = tpu.memref_slice %arg3[%mul3A_2, %dma_wait3A_112] : memref<1536x16384xf32, #tpu.memory_space<hbm>> -> memref<1x16384xf32, #tpu.memory_space<hbm>>
      %dma_wait3A_114 = tpu.memref_squeeze %dma_wait3A_113 : memref<1x16384xf32, #tpu.memory_space<hbm>> -> memref<16384xf32, #tpu.memory_space<hbm>>
      tpu.wait_dma2 semaphore(%arg14 : memref<!tpu.dma_semaphore, #tpu.memory_space<semaphore_mem>>) src(%dma_wait3A_114 : memref<16384xf32, #tpu.memory_space<hbm>>) dst(%arg8 : memref<16384xf32, #tpu.memory_space<vmem>>)
      %mul3A_115 = arith.constant 4 : i32
      %mul3A_116 = arith.muli %mul3A_115, %scan3A_102 : i32
      %add3A_117 = arith.constant 0 : i32
      %add3A_118 = arith.addi %mul3A_116, %add3A_117 : i32
      %ge3A = arith.constant 2 : i32
      %ge3A_119 = arith.cmpi sge, %add3A_118, %ge3A : i32
      %convert_element_type3A = arith.extui %ge3A_119 : i1 to i32
      %cond3A = arith.constant 0 : i32
      %cond3A_120 = arith.cmpi ne, %convert_element_type3A, %cond3A : i32
      scf.if %cond3A_120 {
        %dma_wait3A_268 = arith.constant 0 : i32
        %dma_wait3A_269 = tpu.memref_slice %arg6[%add3A_106, %dma_wait3A_268] : memref<1536x4096xf32, #tpu.memory_space<hbm>> -> memref<1x4096xf32, #tpu.memory_space<hbm>>
        %dma_wait3A_270 = tpu.memref_squeeze %dma_wait3A_269 : memref<1x4096xf32, #tpu.memory_space<hbm>> -> memref<4096xf32, #tpu.memory_space<hbm>>
        %dma_wait3A_271 = arith.constant 0 : i32
        %dma_wait3A_272 = tpu.memref_slice %arg6[%add3A_106, %dma_wait3A_271] : memref<1536x4096xf32, #tpu.memory_space<hbm>> -> memref<1x4096xf32, #tpu.memory_space<hbm>>
        %dma_wait3A_273 = tpu.memref_squeeze %dma_wait3A_272 : memref<1x4096xf32, #tpu.memory_space<hbm>> -> memref<4096xf32, #tpu.memory_space<hbm>>
        tpu.wait_dma2 semaphore(%arg15 : memref<!tpu.dma_semaphore, #tpu.memory_space<semaphore_mem>>) src(%arg12 : memref<4096xf32, #tpu.memory_space<vmem>>) dst(%dma_wait3A_273 : memref<4096xf32, #tpu.memory_space<hbm>>)
      } else {
      }
      %scan3A_121 = arith.constant 0 : i32
      %scan3A_122 = arith.constant 0 : i32
      %scan3A_123 = arith.constant 256 : i32
      %scan3A_124 = arith.addi %scan3A_122, %scan3A_123 : i32
      %scan3A_125 = arith.constant 8 : i32
      %scan3A_126 = scf.for %scan3A_268 = %scan3A_122 to %scan3A_124 step %scan3A_125 iter_args(%scan3A_269 = %scan3A_121) -> (i32)  : i32 {
        %mul3A_270 = arith.constant 16 : i32
        %mul3A_271 = arith.muli %scan3A_268, %mul3A_270 : i32
        %get3A = arith.index_cast %mul3A_271 : i32 to index
        %get3A_272 = tpu.vector_load %arg7[%get3A] {strides = array<i32>} : memref<4096xi32, #tpu.memory_space<vmem>>, vector<16xi32>,
        %gather3A = tpu.vector_load_idx %arg8[%get3A_272] : memref<16384xf32, #tpu.memory_space<vmem>>[vector<16xi32>], vector<16xf32>,
        %mul3A_273 = arith.constant 16 : i32
        %mul3A_274 = arith.muli %scan3A_268, %mul3A_273 : i32
        %swap3A = arith.index_cast %mul3A_274 : i32 to index
        %swap3A_275 = tpu.vector_load %arg12[%swap3A] {strides = array<i32>} : memref<4096xf32, #tpu.memory_space<vmem>>, vector<16xf32>,
        tpu.vector_store %arg12[%swap3A], %gather3A {strides = array<i32>} : memref<4096xf32, #tpu.memory_space<vmem>>, vector<16xf32>,
        %scan3A_276 = arith.constant 0 : i32
        %scan3A_277 = arith.constant 1 : i32
        %scan3A_278 = arith.addi %scan3A_268, %scan3A_277 : i32
        %mul3A_279 = arith.constant 16 : i32
        %mul3A_280 = arith.muli %scan3A_278, %mul3A_279 : i32
        %get3A_281 = arith.index_cast %mul3A_280 : i32 to index
        %get3A_282 = tpu.vector_load %arg7[%get3A_281] {strides = array<i32>} : memref<4096xi32, #tpu.memory_space<vmem>>, vector<16xi32>,
        %gather3A_283 = tpu.vector_load_idx %arg8[%get3A_282] : memref<16384xf32, #tpu.memory_space<vmem>>[vector<16xi32>], vector<16xf32>,
        %mul3A_284 = arith.constant 16 : i32
        %mul3A_285 = arith.muli %scan3A_278, %mul3A_284 : i32
        %swap3A_286 = arith.index_cast %mul3A_285 : i32 to index
        %swap3A_287 = tpu.vector_load %arg12[%swap3A_286] {strides = array<i32>} : memref<4096xf32, #tpu.memory_space<vmem>>, vector<16xf32>,
        tpu.vector_store %arg12[%swap3A_286], %gather3A_283 {strides = array<i32>} : memref<4096xf32, #tpu.memory_space<vmem>>, vector<16xf32>,
        %scan3A_288 = arith.constant 0 : i32
        %scan3A_289 = arith.constant 2 : i32
        %scan3A_290 = arith.addi %scan3A_268, %scan3A_289 : i32
        %mul3A_291 = arith.constant 16 : i32
        %mul3A_292 = arith.muli %scan3A_290, %mul3A_291 : i32
        %get3A_293 = arith.index_cast %mul3A_292 : i32 to index
        %get3A_294 = tpu.vector_load %arg7[%get3A_293] {strides = array<i32>} : memref<4096xi32, #tpu.memory_space<vmem>>, vector<16xi32>,
        %gather3A_295 = tpu.vector_load_idx %arg8[%get3A_294] : memref<16384xf32, #tpu.memory_space<vmem>>[vector<16xi32>], vector<16xf32>,
        %mul3A_296 = arith.constant 16 : i32
        %mul3A_297 = arith.muli %scan3A_290, %mul3A_296 : i32
        %swap3A_298 = arith.index_cast %mul3A_297 : i32 to index
        %swap3A_299 = tpu.vector_load %arg12[%swap3A_298] {strides = array<i32>} : memref<4096xf32, #tpu.memory_space<vmem>>, vector<16xf32>,
        tpu.vector_store %arg12[%swap3A_298], %gather3A_295 {strides = array<i32>} : memref<4096xf32, #tpu.memory_space<vmem>>, vector<16xf32>,
        %scan3A_300 = arith.constant 0 : i32
        %scan3A_301 = arith.constant 3 : i32
        %scan3A_302 = arith.addi %scan3A_268, %scan3A_301 : i32
        %mul3A_303 = arith.constant 16 : i32
        %mul3A_304 = arith.muli %scan3A_302, %mul3A_303 : i32
        %get3A_305 = arith.index_cast %mul3A_304 : i32 to index
        %get3A_306 = tpu.vector_load %arg7[%get3A_305] {strides = array<i32>} : memref<4096xi32, #tpu.memory_space<vmem>>, vector<16xi32>,
        %gather3A_307 = tpu.vector_load_idx %arg8[%get3A_306] : memref<16384xf32, #tpu.memory_space<vmem>>[vector<16xi32>], vector<16xf32>,
        %mul3A_308 = arith.constant 16 : i32
        %mul3A_309 = arith.muli %scan3A_302, %mul3A_308 : i32
        %swap3A_310 = arith.index_cast %mul3A_309 : i32 to index
        %swap3A_311 = tpu.vector_load %arg12[%swap3A_310] {strides = array<i32>} : memref<4096xf32, #tpu.memory_space<vmem>>, vector<16xf32>,
        tpu.vector_store %arg12[%swap3A_310], %gather3A_307 {strides = array<i32>} : memref<4096xf32, #tpu.memory_space<vmem>>, vector<16xf32>,
        %scan3A_312 = arith.constant 0 : i32
        %scan3A_313 = arith.constant 4 : i32
        %scan3A_314 = arith.addi %scan3A_268, %scan3A_313 : i32
        %mul3A_315 = arith.constant 16 : i32
        %mul3A_316 = arith.muli %scan3A_314, %mul3A_315 : i32
        %get3A_317 = arith.index_cast %mul3A_316 : i32 to index
        %get3A_318 = tpu.vector_load %arg7[%get3A_317] {strides = array<i32>} : memref<4096xi32, #tpu.memory_space<vmem>>, vector<16xi32>,
        %gather3A_319 = tpu.vector_load_idx %arg8[%get3A_318] : memref<16384xf32, #tpu.memory_space<vmem>>[vector<16xi32>], vector<16xf32>,
        %mul3A_320 = arith.constant 16 : i32
        %mul3A_321 = arith.muli %scan3A_314, %mul3A_320 : i32
        %swap3A_322 = arith.index_cast %mul3A_321 : i32 to index
        %swap3A_323 = tpu.vector_load %arg12[%swap3A_322] {strides = array<i32>} : memref<4096xf32, #tpu.memory_space<vmem>>, vector<16xf32>,
        tpu.vector_store %arg12[%swap3A_322], %gather3A_319 {strides = array<i32>} : memref<4096xf32, #tpu.memory_space<vmem>>, vector<16xf32>,
        %scan3A_324 = arith.constant 0 : i32
        %scan3A_325 = arith.constant 5 : i32
        %scan3A_326 = arith.addi %scan3A_268, %scan3A_325 : i32
        %mul3A_327 = arith.constant 16 : i32
        %mul3A_328 = arith.muli %scan3A_326, %mul3A_327 : i32
        %get3A_329 = arith.index_cast %mul3A_328 : i32 to index
        %get3A_330 = tpu.vector_load %arg7[%get3A_329] {strides = array<i32>} : memref<4096xi32, #tpu.memory_space<vmem>>, vector<16xi32>,
        %gather3A_331 = tpu.vector_load_idx %arg8[%get3A_330] : memref<16384xf32, #tpu.memory_space<vmem>>[vector<16xi32>], vector<16xf32>,
        %mul3A_332 = arith.constant 16 : i32
        %mul3A_333 = arith.muli %scan3A_326, %mul3A_332 : i32
        %swap3A_334 = arith.index_cast %mul3A_333 : i32 to index
        %swap3A_335 = tpu.vector_load %arg12[%swap3A_334] {strides = array<i32>} : memref<4096xf32, #tpu.memory_space<vmem>>, vector<16xf32>,
        tpu.vector_store %arg12[%swap3A_334], %gather3A_331 {strides = array<i32>} : memref<4096xf32, #tpu.memory_space<vmem>>, vector<16xf32>,
        %scan3A_336 = arith.constant 0 : i32
        %scan3A_337 = arith.constant 6 : i32
        %scan3A_338 = arith.addi %scan3A_268, %scan3A_337 : i32
        %mul3A_339 = arith.constant 16 : i32
        %mul3A_340 = arith.muli %scan3A_338, %mul3A_339 : i32
        %get3A_341 = arith.index_cast %mul3A_340 : i32 to index
        %get3A_342 = tpu.vector_load %arg7[%get3A_341] {strides = array<i32>} : memref<4096xi32, #tpu.memory_space<vmem>>, vector<16xi32>,
        %gather3A_343 = tpu.vector_load_idx %arg8[%get3A_342] : memref<16384xf32, #tpu.memory_space<vmem>>[vector<16xi32>], vector<16xf32>,
        %mul3A_344 = arith.constant 16 : i32
        %mul3A_345 = arith.muli %scan3A_338, %mul3A_344 : i32
        %swap3A_346 = arith.index_cast %mul3A_345 : i32 to index
        %swap3A_347 = tpu.vector_load %arg12[%swap3A_346] {strides = array<i32>} : memref<4096xf32, #tpu.memory_space<vmem>>, vector<16xf32>,
        tpu.vector_store %arg12[%swap3A_346], %gather3A_343 {strides = array<i32>} : memref<4096xf32, #tpu.memory_space<vmem>>, vector<16xf32>,
        %scan3A_348 = arith.constant 0 : i32
        %scan3A_349 = arith.constant 7 : i32
        %scan3A_350 = arith.addi %scan3A_268, %scan3A_349 : i32
        %mul3A_351 = arith.constant 16 : i32
        %mul3A_352 = arith.muli %scan3A_350, %mul3A_351 : i32
        %get3A_353 = arith.index_cast %mul3A_352 : i32 to index
        %get3A_354 = tpu.vector_load %arg7[%get3A_353] {strides = array<i32>} : memref<4096xi32, #tpu.memory_space<vmem>>, vector<16xi32>,
        %gather3A_355 = tpu.vector_load_idx %arg8[%get3A_354] : memref<16384xf32, #tpu.memory_space<vmem>>[vector<16xi32>], vector<16xf32>,
        %mul3A_356 = arith.constant 16 : i32
        %mul3A_357 = arith.muli %scan3A_350, %mul3A_356 : i32
        %swap3A_358 = arith.index_cast %mul3A_357 : i32 to index
        %swap3A_359 = tpu.vector_load %arg12[%swap3A_358] {strides = array<i32>} : memref<4096xf32, #tpu.memory_space<vmem>>, vector<16xf32>,
        tpu.vector_store %arg12[%swap3A_358], %gather3A_355 {strides = array<i32>} : memref<4096xf32, #tpu.memory_space<vmem>>, vector<16xf32>,
        %scan3A_360 = arith.constant 0 : i32
        scf.yield %scan3A_360 : i32
      }
      %scan3A_127 = arith.constant 256 : i32
      %dma_start3A_128 = arith.constant 0 : i32
      %dma_start3A_129 = tpu.memref_slice %arg6[%add3A_108, %dma_start3A_128] : memref<1536x4096xf32, #tpu.memory_space<hbm>> -> memref<1x4096xf32, #tpu.memory_space<hbm>>
      %dma_start3A_130 = tpu.memref_squeeze %dma_start3A_129 : memref<1x4096xf32, #tpu.memory_space<hbm>> -> memref<4096xf32, #tpu.memory_space<hbm>>
      %dma_start3A_131 = arith.constant 0 : i32
      %dma_start3A_132 = tpu.memref_slice %arg6[%add3A_108, %dma_start3A_131] : memref<1536x4096xf32, #tpu.memory_space<hbm>> -> memref<1x4096xf32, #tpu.memory_space<hbm>>
      %dma_start3A_133 = tpu.memref_squeeze %dma_start3A_132 : memref<1x4096xf32, #tpu.memory_space<hbm>> -> memref<4096xf32, #tpu.memory_space<hbm>>
      tpu.enqueue_dma source(%arg12 : memref<4096xf32, #tpu.memory_space<vmem>>) target(%dma_start3A_133 : memref<4096xf32, #tpu.memory_space<hbm>>) target_semaphore(%arg15 : memref<!tpu.dma_semaphore, #tpu.memory_space<semaphore_mem>>)
      %mul3A_134 = arith.constant 4 : i32
      %mul3A_135 = arith.muli %mul3A_134, %scan3A_102 : i32
      %add3A_136 = arith.constant 0 : i32
      %add3A_137 = arith.addi %mul3A_135, %add3A_136 : i32
      %add3A_138 = arith.constant 3 : i32
      %add3A_139 = arith.addi %add3A_137, %add3A_138 : i32
      %lt3A = arith.constant 48 : i32
      %lt3A_140 = arith.cmpi slt, %add3A_139, %lt3A : i32
      %convert_element_type3A_141 = arith.extui %lt3A_140 : i1 to i32
      %cond3A_142 = arith.constant 0 : i32
      %cond3A_143 = arith.cmpi ne, %convert_element_type3A_141, %cond3A_142 : i32
      scf.if %cond3A_143 {
        %add3A_268 = arith.constant 3 : i32
        %add3A_269 = arith.addi %add3A_108, %add3A_268 : i32
        %dma_start3A_270 = arith.constant 0 : i32
        %dma_start3A_271 = tpu.memref_slice %arg3[%add3A_269, %dma_start3A_270] : memref<1536x16384xf32, #tpu.memory_space<hbm>> -> memref<1x16384xf32, #tpu.memory_space<hbm>>
        %dma_start3A_272 = tpu.memref_squeeze %dma_start3A_271 : memref<1x16384xf32, #tpu.memory_space<hbm>> -> memref<16384xf32, #tpu.memory_space<hbm>>
        %dma_start3A_273 = arith.constant 0 : i32
        %dma_start3A_274 = tpu.memref_slice %arg3[%add3A_269, %dma_start3A_273] : memref<1536x16384xf32, #tpu.memory_space<hbm>> -> memref<1x16384xf32, #tpu.memory_space<hbm>>
        %dma_start3A_275 = tpu.memref_squeeze %dma_start3A_274 : memref<1x16384xf32, #tpu.memory_space<hbm>> -> memref<16384xf32, #tpu.memory_space<hbm>>
        tpu.enqueue_dma source(%dma_start3A_275 : memref<16384xf32, #tpu.memory_space<hbm>>) target(%arg11 : memref<16384xf32, #tpu.memory_space<vmem>>) target_semaphore(%arg14 : memref<!tpu.dma_semaphore, #tpu.memory_space<semaphore_mem>>)
      } else {
      }
      %add3A_144 = arith.constant 1 : i32
      %add3A_145 = arith.addi %add3A_106, %add3A_144 : i32
      %dma_wait3A_146 = arith.constant 0 : i32
      %dma_wait3A_147 = tpu.memref_slice %arg3[%mul3A_2, %dma_wait3A_146] : memref<1536x16384xf32, #tpu.memory_space<hbm>> -> memref<1x16384xf32, #tpu.memory_space<hbm>>
      %dma_wait3A_148 = tpu.memref_squeeze %dma_wait3A_147 : memref<1x16384xf32, #tpu.memory_space<hbm>> -> memref<16384xf32, #tpu.memory_space<hbm>>
      %dma_wait3A_149 = arith.constant 0 : i32
      %dma_wait3A_150 = tpu.memref_slice %arg3[%mul3A_2, %dma_wait3A_149] : memref<1536x16384xf32, #tpu.memory_space<hbm>> -> memref<1x16384xf32, #tpu.memory_space<hbm>>
      %dma_wait3A_151 = tpu.memref_squeeze %dma_wait3A_150 : memref<1x16384xf32, #tpu.memory_space<hbm>> -> memref<16384xf32, #tpu.memory_space<hbm>>
      tpu.wait_dma2 semaphore(%arg14 : memref<!tpu.dma_semaphore, #tpu.memory_space<semaphore_mem>>) src(%dma_wait3A_151 : memref<16384xf32, #tpu.memory_space<hbm>>) dst(%arg9 : memref<16384xf32, #tpu.memory_space<vmem>>)
      %mul3A_152 = arith.constant 4 : i32
      %mul3A_153 = arith.muli %mul3A_152, %scan3A_102 : i32
      %add3A_154 = arith.constant 1 : i32
      %add3A_155 = arith.addi %mul3A_153, %add3A_154 : i32
      %ge3A_156 = arith.constant 2 : i32
      %ge3A_157 = arith.cmpi sge, %add3A_155, %ge3A_156 : i32
      %convert_element_type3A_158 = arith.extui %ge3A_157 : i1 to i32
      %cond3A_159 = arith.constant 0 : i32
      %cond3A_160 = arith.cmpi ne, %convert_element_type3A_158, %cond3A_159 : i32
      scf.if %cond3A_160 {
        %dma_wait3A_268 = arith.constant 0 : i32
        %dma_wait3A_269 = tpu.memref_slice %arg6[%add3A_106, %dma_wait3A_268] : memref<1536x4096xf32, #tpu.memory_space<hbm>> -> memref<1x4096xf32, #tpu.memory_space<hbm>>
        %dma_wait3A_270 = tpu.memref_squeeze %dma_wait3A_269 : memref<1x4096xf32, #tpu.memory_space<hbm>> -> memref<4096xf32, #tpu.memory_space<hbm>>
        %dma_wait3A_271 = arith.constant 0 : i32
        %dma_wait3A_272 = tpu.memref_slice %arg6[%add3A_106, %dma_wait3A_271] : memref<1536x4096xf32, #tpu.memory_space<hbm>> -> memref<1x4096xf32, #tpu.memory_space<hbm>>
        %dma_wait3A_273 = tpu.memref_squeeze %dma_wait3A_272 : memref<1x4096xf32, #tpu.memory_space<hbm>> -> memref<4096xf32, #tpu.memory_space<hbm>>
        tpu.wait_dma2 semaphore(%arg16 : memref<!tpu.dma_semaphore, #tpu.memory_space<semaphore_mem>>) src(%arg13 : memref<4096xf32, #tpu.memory_space<vmem>>) dst(%dma_wait3A_273 : memref<4096xf32, #tpu.memory_space<hbm>>)
      } else {
      }
      %scan3A_161 = arith.constant 0 : i32
      %scan3A_162 = arith.constant 0 : i32
      %scan3A_163 = arith.constant 256 : i32
      %scan3A_164 = arith.addi %scan3A_162, %scan3A_163 : i32
      %scan3A_165 = arith.constant 8 : i32
      %scan3A_166 = scf.for %scan3A_268 = %scan3A_162 to %scan3A_164 step %scan3A_165 iter_args(%scan3A_269 = %scan3A_161) -> (i32)  : i32 {
        %mul3A_270 = arith.constant 16 : i32
        %mul3A_271 = arith.muli %scan3A_268, %mul3A_270 : i32
        %get3A = arith.index_cast %mul3A_271 : i32 to index
        %get3A_272 = tpu.vector_load %arg7[%get3A] {strides = array<i32>} : memref<4096xi32, #tpu.memory_space<vmem>>, vector<16xi32>,
        %gather3A = tpu.vector_load_idx %arg9[%get3A_272] : memref<16384xf32, #tpu.memory_space<vmem>>[vector<16xi32>], vector<16xf32>,
        %mul3A_273 = arith.constant 16 : i32
        %mul3A_274 = arith.muli %scan3A_268, %mul3A_273 : i32
        %swap3A = arith.index_cast %mul3A_274 : i32 to index
        %swap3A_275 = tpu.vector_load %arg13[%swap3A] {strides = array<i32>} : memref<4096xf32, #tpu.memory_space<vmem>>, vector<16xf32>,
        tpu.vector_store %arg13[%swap3A], %gather3A {strides = array<i32>} : memref<4096xf32, #tpu.memory_space<vmem>>, vector<16xf32>,
        %scan3A_276 = arith.constant 0 : i32
        %scan3A_277 = arith.constant 1 : i32
        %scan3A_278 = arith.addi %scan3A_268, %scan3A_277 : i32
        %mul3A_279 = arith.constant 16 : i32
        %mul3A_280 = arith.muli %scan3A_278, %mul3A_279 : i32
        %get3A_281 = arith.index_cast %mul3A_280 : i32 to index
        %get3A_282 = tpu.vector_load %arg7[%get3A_281] {strides = array<i32>} : memref<4096xi32, #tpu.memory_space<vmem>>, vector<16xi32>,
        %gather3A_283 = tpu.vector_load_idx %arg9[%get3A_282] : memref<16384xf32, #tpu.memory_space<vmem>>[vector<16xi32>], vector<16xf32>,
        %mul3A_284 = arith.constant 16 : i32
        %mul3A_285 = arith.muli %scan3A_278, %mul3A_284 : i32
        %swap3A_286 = arith.index_cast %mul3A_285 : i32 to index
        %swap3A_287 = tpu.vector_load %arg13[%swap3A_286] {strides = array<i32>} : memref<4096xf32, #tpu.memory_space<vmem>>, vector<16xf32>,
        tpu.vector_store %arg13[%swap3A_286], %gather3A_283 {strides = array<i32>} : memref<4096xf32, #tpu.memory_space<vmem>>, vector<16xf32>,
        %scan3A_288 = arith.constant 0 : i32
        %scan3A_289 = arith.constant 2 : i32
        %scan3A_290 = arith.addi %scan3A_268, %scan3A_289 : i32
        %mul3A_291 = arith.constant 16 : i32
        %mul3A_292 = arith.muli %scan3A_290, %mul3A_291 : i32
        %get3A_293 = arith.index_cast %mul3A_292 : i32 to index
        %get3A_294 = tpu.vector_load %arg7[%get3A_293] {strides = array<i32>} : memref<4096xi32, #tpu.memory_space<vmem>>, vector<16xi32>,
        %gather3A_295 = tpu.vector_load_idx %arg9[%get3A_294] : memref<16384xf32, #tpu.memory_space<vmem>>[vector<16xi32>], vector<16xf32>,
        %mul3A_296 = arith.constant 16 : i32
        %mul3A_297 = arith.muli %scan3A_290, %mul3A_296 : i32
        %swap3A_298 = arith.index_cast %mul3A_297 : i32 to index
        %swap3A_299 = tpu.vector_load %arg13[%swap3A_298] {strides = array<i32>} : memref<4096xf32, #tpu.memory_space<vmem>>, vector<16xf32>,
        tpu.vector_store %arg13[%swap3A_298], %gather3A_295 {strides = array<i32>} : memref<4096xf32, #tpu.memory_space<vmem>>, vector<16xf32>,
        %scan3A_300 = arith.constant 0 : i32
        %scan3A_301 = arith.constant 3 : i32
        %scan3A_302 = arith.addi %scan3A_268, %scan3A_301 : i32
        %mul3A_303 = arith.constant 16 : i32
        %mul3A_304 = arith.muli %scan3A_302, %mul3A_303 : i32
        %get3A_305 = arith.index_cast %mul3A_304 : i32 to index
        %get3A_306 = tpu.vector_load %arg7[%get3A_305] {strides = array<i32>} : memref<4096xi32, #tpu.memory_space<vmem>>, vector<16xi32>,
        %gather3A_307 = tpu.vector_load_idx %arg9[%get3A_306] : memref<16384xf32, #tpu.memory_space<vmem>>[vector<16xi32>], vector<16xf32>,
        %mul3A_308 = arith.constant 16 : i32
        %mul3A_309 = arith.muli %scan3A_302, %mul3A_308 : i32
        %swap3A_310 = arith.index_cast %mul3A_309 : i32 to index
        %swap3A_311 = tpu.vector_load %arg13[%swap3A_310] {strides = array<i32>} : memref<4096xf32, #tpu.memory_space<vmem>>, vector<16xf32>,
        tpu.vector_store %arg13[%swap3A_310], %gather3A_307 {strides = array<i32>} : memref<4096xf32, #tpu.memory_space<vmem>>, vector<16xf32>,
        %scan3A_312 = arith.constant 0 : i32
        %scan3A_313 = arith.constant 4 : i32
        %scan3A_314 = arith.addi %scan3A_268, %scan3A_313 : i32
        %mul3A_315 = arith.constant 16 : i32
        %mul3A_316 = arith.muli %scan3A_314, %mul3A_315 : i32
        %get3A_317 = arith.index_cast %mul3A_316 : i32 to index
        %get3A_318 = tpu.vector_load %arg7[%get3A_317] {strides = array<i32>} : memref<4096xi32, #tpu.memory_space<vmem>>, vector<16xi32>,
        %gather3A_319 = tpu.vector_load_idx %arg9[%get3A_318] : memref<16384xf32, #tpu.memory_space<vmem>>[vector<16xi32>], vector<16xf32>,
        %mul3A_320 = arith.constant 16 : i32
        %mul3A_321 = arith.muli %scan3A_314, %mul3A_320 : i32
        %swap3A_322 = arith.index_cast %mul3A_321 : i32 to index
        %swap3A_323 = tpu.vector_load %arg13[%swap3A_322] {strides = array<i32>} : memref<4096xf32, #tpu.memory_space<vmem>>, vector<16xf32>,
        tpu.vector_store %arg13[%swap3A_322], %gather3A_319 {strides = array<i32>} : memref<4096xf32, #tpu.memory_space<vmem>>, vector<16xf32>,
        %scan3A_324 = arith.constant 0 : i32
        %scan3A_325 = arith.constant 5 : i32
        %scan3A_326 = arith.addi %scan3A_268, %scan3A_325 : i32
        %mul3A_327 = arith.constant 16 : i32
        %mul3A_328 = arith.muli %scan3A_326, %mul3A_327 : i32
        %get3A_329 = arith.index_cast %mul3A_328 : i32 to index
        %get3A_330 = tpu.vector_load %arg7[%get3A_329] {strides = array<i32>} : memref<4096xi32, #tpu.memory_space<vmem>>, vector<16xi32>,
        %gather3A_331 = tpu.vector_load_idx %arg9[%get3A_330] : memref<16384xf32, #tpu.memory_space<vmem>>[vector<16xi32>], vector<16xf32>,
        %mul3A_332 = arith.constant 16 : i32
        %mul3A_333 = arith.muli %scan3A_326, %mul3A_332 : i32
        %swap3A_334 = arith.index_cast %mul3A_333 : i32 to index
        %swap3A_335 = tpu.vector_load %arg13[%swap3A_334] {strides = array<i32>} : memref<4096xf32, #tpu.memory_space<vmem>>, vector<16xf32>,
        tpu.vector_store %arg13[%swap3A_334], %gather3A_331 {strides = array<i32>} : memref<4096xf32, #tpu.memory_space<vmem>>, vector<16xf32>,
        %scan3A_336 = arith.constant 0 : i32
        %scan3A_337 = arith.constant 6 : i32
        %scan3A_338 = arith.addi %scan3A_268, %scan3A_337 : i32
        %mul3A_339 = arith.constant 16 : i32
        %mul3A_340 = arith.muli %scan3A_338, %mul3A_339 : i32
        %get3A_341 = arith.index_cast %mul3A_340 : i32 to index
        %get3A_342 = tpu.vector_load %arg7[%get3A_341] {strides = array<i32>} : memref<4096xi32, #tpu.memory_space<vmem>>, vector<16xi32>,
        %gather3A_343 = tpu.vector_load_idx %arg9[%get3A_342] : memref<16384xf32, #tpu.memory_space<vmem>>[vector<16xi32>], vector<16xf32>,
        %mul3A_344 = arith.constant 16 : i32
        %mul3A_345 = arith.muli %scan3A_338, %mul3A_344 : i32
        %swap3A_346 = arith.index_cast %mul3A_345 : i32 to index
        %swap3A_347 = tpu.vector_load %arg13[%swap3A_346] {strides = array<i32>} : memref<4096xf32, #tpu.memory_space<vmem>>, vector<16xf32>,
        tpu.vector_store %arg13[%swap3A_346], %gather3A_343 {strides = array<i32>} : memref<4096xf32, #tpu.memory_space<vmem>>, vector<16xf32>,
        %scan3A_348 = arith.constant 0 : i32
        %scan3A_349 = arith.constant 7 : i32
        %scan3A_350 = arith.addi %scan3A_268, %scan3A_349 : i32
        %mul3A_351 = arith.constant 16 : i32
        %mul3A_352 = arith.muli %scan3A_350, %mul3A_351 : i32
        %get3A_353 = arith.index_cast %mul3A_352 : i32 to index
        %get3A_354 = tpu.vector_load %arg7[%get3A_353] {strides = array<i32>} : memref<4096xi32, #tpu.memory_space<vmem>>, vector<16xi32>,
        %gather3A_355 = tpu.vector_load_idx %arg9[%get3A_354] : memref<16384xf32, #tpu.memory_space<vmem>>[vector<16xi32>], vector<16xf32>,
        %mul3A_356 = arith.constant 16 : i32
        %mul3A_357 = arith.muli %scan3A_350, %mul3A_356 : i32
        %swap3A_358 = arith.index_cast %mul3A_357 : i32 to index
        %swap3A_359 = tpu.vector_load %arg13[%swap3A_358] {strides = array<i32>} : memref<4096xf32, #tpu.memory_space<vmem>>, vector<16xf32>,
        tpu.vector_store %arg13[%swap3A_358], %gather3A_355 {strides = array<i32>} : memref<4096xf32, #tpu.memory_space<vmem>>, vector<16xf32>,
        %scan3A_360 = arith.constant 0 : i32
        scf.yield %scan3A_360 : i32
      }
      %scan3A_167 = arith.constant 256 : i32
      %dma_start3A_168 = arith.constant 0 : i32
      %dma_start3A_169 = tpu.memref_slice %arg6[%add3A_145, %dma_start3A_168] : memref<1536x4096xf32, #tpu.memory_space<hbm>> -> memref<1x4096xf32, #tpu.memory_space<hbm>>
      %dma_start3A_170 = tpu.memref_squeeze %dma_start3A_169 : memref<1x4096xf32, #tpu.memory_space<hbm>> -> memref<4096xf32, #tpu.memory_space<hbm>>
      %dma_start3A_171 = arith.constant 0 : i32
      %dma_start3A_172 = tpu.memref_slice %arg6[%add3A_145, %dma_start3A_171] : memref<1536x4096xf32, #tpu.memory_space<hbm>> -> memref<1x4096xf32, #tpu.memory_space<hbm>>
      %dma_start3A_173 = tpu.memref_squeeze %dma_start3A_172 : memref<1x4096xf32, #tpu.memory_space<hbm>> -> memref<4096xf32, #tpu.memory_space<hbm>>
      tpu.enqueue_dma source(%arg13 : memref<4096xf32, #tpu.memory_space<vmem>>) target(%dma_start3A_173 : memref<4096xf32, #tpu.memory_space<hbm>>) target_semaphore(%arg16 : memref<!tpu.dma_semaphore, #tpu.memory_space<semaphore_mem>>)
      %mul3A_174 = arith.constant 4 : i32
      %mul3A_175 = arith.muli %mul3A_174, %scan3A_102 : i32
      %add3A_176 = arith.constant 1 : i32
      %add3A_177 = arith.addi %mul3A_175, %add3A_176 : i32
      %add3A_178 = arith.constant 3 : i32
      %add3A_179 = arith.addi %add3A_177, %add3A_178 : i32
      %lt3A_180 = arith.constant 48 : i32
      %lt3A_181 = arith.cmpi slt, %add3A_179, %lt3A_180 : i32
      %convert_element_type3A_182 = arith.extui %lt3A_181 : i1 to i32
      %cond3A_183 = arith.constant 0 : i32
      %cond3A_184 = arith.cmpi ne, %convert_element_type3A_182, %cond3A_183 : i32
      scf.if %cond3A_184 {
        %add3A_268 = arith.constant 3 : i32
        %add3A_269 = arith.addi %add3A_145, %add3A_268 : i32
        %dma_start3A_270 = arith.constant 0 : i32
        %dma_start3A_271 = tpu.memref_slice %arg3[%add3A_269, %dma_start3A_270] : memref<1536x16384xf32, #tpu.memory_space<hbm>> -> memref<1x16384xf32, #tpu.memory_space<hbm>>
        %dma_start3A_272 = tpu.memref_squeeze %dma_start3A_271 : memref<1x16384xf32, #tpu.memory_space<hbm>> -> memref<16384xf32, #tpu.memory_space<hbm>>
        %dma_start3A_273 = arith.constant 0 : i32
        %dma_start3A_274 = tpu.memref_slice %arg3[%add3A_269, %dma_start3A_273] : memref<1536x16384xf32, #tpu.memory_space<hbm>> -> memref<1x16384xf32, #tpu.memory_space<hbm>>
        %dma_start3A_275 = tpu.memref_squeeze %dma_start3A_274 : memref<1x16384xf32, #tpu.memory_space<hbm>> -> memref<16384xf32, #tpu.memory_space<hbm>>
        tpu.enqueue_dma source(%dma_start3A_275 : memref<16384xf32, #tpu.memory_space<hbm>>) target(%arg8 : memref<16384xf32, #tpu.memory_space<vmem>>) target_semaphore(%arg14 : memref<!tpu.dma_semaphore, #tpu.memory_space<semaphore_mem>>)
      } else {
      }
      %add3A_185 = arith.constant 2 : i32
      %add3A_186 = arith.addi %add3A_106, %add3A_185 : i32
      %dma_wait3A_187 = arith.constant 0 : i32
      %dma_wait3A_188 = tpu.memref_slice %arg3[%mul3A_2, %dma_wait3A_187] : memref<1536x16384xf32, #tpu.memory_space<hbm>> -> memref<1x16384xf32, #tpu.memory_space<hbm>>
      %dma_wait3A_189 = tpu.memref_squeeze %dma_wait3A_188 : memref<1x16384xf32, #tpu.memory_space<hbm>> -> memref<16384xf32, #tpu.memory_space<hbm>>
      %dma_wait3A_190 = arith.constant 0 : i32
      %dma_wait3A_191 = tpu.memref_slice %arg3[%mul3A_2, %dma_wait3A_190] : memref<1536x16384xf32, #tpu.memory_space<hbm>> -> memref<1x16384xf32, #tpu.memory_space<hbm>>
      %dma_wait3A_192 = tpu.memref_squeeze %dma_wait3A_191 : memref<1x16384xf32, #tpu.memory_space<hbm>> -> memref<16384xf32, #tpu.memory_space<hbm>>
      tpu.wait_dma2 semaphore(%arg14 : memref<!tpu.dma_semaphore, #tpu.memory_space<semaphore_mem>>) src(%dma_wait3A_192 : memref<16384xf32, #tpu.memory_space<hbm>>) dst(%arg10 : memref<16384xf32, #tpu.memory_space<vmem>>)
      %mul3A_193 = arith.constant 4 : i32
      %mul3A_194 = arith.muli %mul3A_193, %scan3A_102 : i32
      %add3A_195 = arith.constant 2 : i32
      %add3A_196 = arith.addi %mul3A_194, %add3A_195 : i32
      %ge3A_197 = arith.constant 2 : i32
      %ge3A_198 = arith.cmpi sge, %add3A_196, %ge3A_197 : i32
      %convert_element_type3A_199 = arith.extui %ge3A_198 : i1 to i32
      %cond3A_200 = arith.constant 0 : i32
      %cond3A_201 = arith.cmpi ne, %convert_element_type3A_199, %cond3A_200 : i32
      scf.if %cond3A_201 {
        %dma_wait3A_268 = arith.constant 0 : i32
        %dma_wait3A_269 = tpu.memref_slice %arg6[%add3A_106, %dma_wait3A_268] : memref<1536x4096xf32, #tpu.memory_space<hbm>> -> memref<1x4096xf32, #tpu.memory_space<hbm>>
        %dma_wait3A_270 = tpu.memref_squeeze %dma_wait3A_269 : memref<1x4096xf32, #tpu.memory_space<hbm>> -> memref<4096xf32, #tpu.memory_space<hbm>>
        %dma_wait3A_271 = arith.constant 0 : i32
        %dma_wait3A_272 = tpu.memref_slice %arg6[%add3A_106, %dma_wait3A_271] : memref<1536x4096xf32, #tpu.memory_space<hbm>> -> memref<1x4096xf32, #tpu.memory_space<hbm>>
        %dma_wait3A_273 = tpu.memref_squeeze %dma_wait3A_272 : memref<1x4096xf32, #tpu.memory_space<hbm>> -> memref<4096xf32, #tpu.memory_space<hbm>>
        tpu.wait_dma2 semaphore(%arg15 : memref<!tpu.dma_semaphore, #tpu.memory_space<semaphore_mem>>) src(%arg12 : memref<4096xf32, #tpu.memory_space<vmem>>) dst(%dma_wait3A_273 : memref<4096xf32, #tpu.memory_space<hbm>>)
      } else {
      }
      %scan3A_202 = arith.constant 0 : i32
      %scan3A_203 = arith.constant 0 : i32
      %scan3A_204 = arith.constant 256 : i32
      %scan3A_205 = arith.addi %scan3A_203, %scan3A_204 : i32
      %scan3A_206 = arith.constant 8 : i32
      %scan3A_207 = scf.for %scan3A_268 = %scan3A_203 to %scan3A_205 step %scan3A_206 iter_args(%scan3A_269 = %scan3A_202) -> (i32)  : i32 {
        %mul3A_270 = arith.constant 16 : i32
        %mul3A_271 = arith.muli %scan3A_268, %mul3A_270 : i32
        %get3A = arith.index_cast %mul3A_271 : i32 to index
        %get3A_272 = tpu.vector_load %arg7[%get3A] {strides = array<i32>} : memref<4096xi32, #tpu.memory_space<vmem>>, vector<16xi32>,
        %gather3A = tpu.vector_load_idx %arg10[%get3A_272] : memref<16384xf32, #tpu.memory_space<vmem>>[vector<16xi32>], vector<16xf32>,
        %mul3A_273 = arith.constant 16 : i32
        %mul3A_274 = arith.muli %scan3A_268, %mul3A_273 : i32
        %swap3A = arith.index_cast %mul3A_274 : i32 to index
        %swap3A_275 = tpu.vector_load %arg12[%swap3A] {strides = array<i32>} : memref<4096xf32, #tpu.memory_space<vmem>>, vector<16xf32>,
        tpu.vector_store %arg12[%swap3A], %gather3A {strides = array<i32>} : memref<4096xf32, #tpu.memory_space<vmem>>, vector<16xf32>,
        %scan3A_276 = arith.constant 0 : i32
        %scan3A_277 = arith.constant 1 : i32
        %scan3A_278 = arith.addi %scan3A_268, %scan3A_277 : i32
        %mul3A_279 = arith.constant 16 : i32
        %mul3A_280 = arith.muli %scan3A_278, %mul3A_279 : i32
        %get3A_281 = arith.index_cast %mul3A_280 : i32 to index
        %get3A_282 = tpu.vector_load %arg7[%get3A_281] {strides = array<i32>} : memref<4096xi32, #tpu.memory_space<vmem>>, vector<16xi32>,
        %gather3A_283 = tpu.vector_load_idx %arg10[%get3A_282] : memref<16384xf32, #tpu.memory_space<vmem>>[vector<16xi32>], vector<16xf32>,
        %mul3A_284 = arith.constant 16 : i32
        %mul3A_285 = arith.muli %scan3A_278, %mul3A_284 : i32
        %swap3A_286 = arith.index_cast %mul3A_285 : i32 to index
        %swap3A_287 = tpu.vector_load %arg12[%swap3A_286] {strides = array<i32>} : memref<4096xf32, #tpu.memory_space<vmem>>, vector<16xf32>,
        tpu.vector_store %arg12[%swap3A_286], %gather3A_283 {strides = array<i32>} : memref<4096xf32, #tpu.memory_space<vmem>>, vector<16xf32>,
        %scan3A_288 = arith.constant 0 : i32
        %scan3A_289 = arith.constant 2 : i32
        %scan3A_290 = arith.addi %scan3A_268, %scan3A_289 : i32
        %mul3A_291 = arith.constant 16 : i32
        %mul3A_292 = arith.muli %scan3A_290, %mul3A_291 : i32
        %get3A_293 = arith.index_cast %mul3A_292 : i32 to index
        %get3A_294 = tpu.vector_load %arg7[%get3A_293] {strides = array<i32>} : memref<4096xi32, #tpu.memory_space<vmem>>, vector<16xi32>,
        %gather3A_295 = tpu.vector_load_idx %arg10[%get3A_294] : memref<16384xf32, #tpu.memory_space<vmem>>[vector<16xi32>], vector<16xf32>,
        %mul3A_296 = arith.constant 16 : i32
        %mul3A_297 = arith.muli %scan3A_290, %mul3A_296 : i32
        %swap3A_298 = arith.index_cast %mul3A_297 : i32 to index
        %swap3A_299 = tpu.vector_load %arg12[%swap3A_298] {strides = array<i32>} : memref<4096xf32, #tpu.memory_space<vmem>>, vector<16xf32>,
        tpu.vector_store %arg12[%swap3A_298], %gather3A_295 {strides = array<i32>} : memref<4096xf32, #tpu.memory_space<vmem>>, vector<16xf32>,
        %scan3A_300 = arith.constant 0 : i32
        %scan3A_301 = arith.constant 3 : i32
        %scan3A_302 = arith.addi %scan3A_268, %scan3A_301 : i32
        %mul3A_303 = arith.constant 16 : i32
        %mul3A_304 = arith.muli %scan3A_302, %mul3A_303 : i32
        %get3A_305 = arith.index_cast %mul3A_304 : i32 to index
        %get3A_306 = tpu.vector_load %arg7[%get3A_305] {strides = array<i32>} : memref<4096xi32, #tpu.memory_space<vmem>>, vector<16xi32>,
        %gather3A_307 = tpu.vector_load_idx %arg10[%get3A_306] : memref<16384xf32, #tpu.memory_space<vmem>>[vector<16xi32>], vector<16xf32>,
        %mul3A_308 = arith.constant 16 : i32
        %mul3A_309 = arith.muli %scan3A_302, %mul3A_308 : i32
        %swap3A_310 = arith.index_cast %mul3A_309 : i32 to index
        %swap3A_311 = tpu.vector_load %arg12[%swap3A_310] {strides = array<i32>} : memref<4096xf32, #tpu.memory_space<vmem>>, vector<16xf32>,
        tpu.vector_store %arg12[%swap3A_310], %gather3A_307 {strides = array<i32>} : memref<4096xf32, #tpu.memory_space<vmem>>, vector<16xf32>,
        %scan3A_312 = arith.constant 0 : i32
        %scan3A_313 = arith.constant 4 : i32
        %scan3A_314 = arith.addi %scan3A_268, %scan3A_313 : i32
        %mul3A_315 = arith.constant 16 : i32
        %mul3A_316 = arith.muli %scan3A_314, %mul3A_315 : i32
        %get3A_317 = arith.index_cast %mul3A_316 : i32 to index
        %get3A_318 = tpu.vector_load %arg7[%get3A_317] {strides = array<i32>} : memref<4096xi32, #tpu.memory_space<vmem>>, vector<16xi32>,
        %gather3A_319 = tpu.vector_load_idx %arg10[%get3A_318] : memref<16384xf32, #tpu.memory_space<vmem>>[vector<16xi32>], vector<16xf32>,
        %mul3A_320 = arith.constant 16 : i32
        %mul3A_321 = arith.muli %scan3A_314, %mul3A_320 : i32
        %swap3A_322 = arith.index_cast %mul3A_321 : i32 to index
        %swap3A_323 = tpu.vector_load %arg12[%swap3A_322] {strides = array<i32>} : memref<4096xf32, #tpu.memory_space<vmem>>, vector<16xf32>,
        tpu.vector_store %arg12[%swap3A_322], %gather3A_319 {strides = array<i32>} : memref<4096xf32, #tpu.memory_space<vmem>>, vector<16xf32>,
        %scan3A_324 = arith.constant 0 : i32
        %scan3A_325 = arith.constant 5 : i32
        %scan3A_326 = arith.addi %scan3A_268, %scan3A_325 : i32
        %mul3A_327 = arith.constant 16 : i32
        %mul3A_328 = arith.muli %scan3A_326, %mul3A_327 : i32
        %get3A_329 = arith.index_cast %mul3A_328 : i32 to index
        %get3A_330 = tpu.vector_load %arg7[%get3A_329] {strides = array<i32>} : memref<4096xi32, #tpu.memory_space<vmem>>, vector<16xi32>,
        %gather3A_331 = tpu.vector_load_idx %arg10[%get3A_330] : memref<16384xf32, #tpu.memory_space<vmem>>[vector<16xi32>], vector<16xf32>,
        %mul3A_332 = arith.constant 16 : i32
        %mul3A_333 = arith.muli %scan3A_326, %mul3A_332 : i32
        %swap3A_334 = arith.index_cast %mul3A_333 : i32 to index
        %swap3A_335 = tpu.vector_load %arg12[%swap3A_334] {strides = array<i32>} : memref<4096xf32, #tpu.memory_space<vmem>>, vector<16xf32>,
        tpu.vector_store %arg12[%swap3A_334], %gather3A_331 {strides = array<i32>} : memref<4096xf32, #tpu.memory_space<vmem>>, vector<16xf32>,
        %scan3A_336 = arith.constant 0 : i32
        %scan3A_337 = arith.constant 6 : i32
        %scan3A_338 = arith.addi %scan3A_268, %scan3A_337 : i32
        %mul3A_339 = arith.constant 16 : i32
        %mul3A_340 = arith.muli %scan3A_338, %mul3A_339 : i32
        %get3A_341 = arith.index_cast %mul3A_340 : i32 to index
        %get3A_342 = tpu.vector_load %arg7[%get3A_341] {strides = array<i32>} : memref<4096xi32, #tpu.memory_space<vmem>>, vector<16xi32>,
        %gather3A_343 = tpu.vector_load_idx %arg10[%get3A_342] : memref<16384xf32, #tpu.memory_space<vmem>>[vector<16xi32>], vector<16xf32>,
        %mul3A_344 = arith.constant 16 : i32
        %mul3A_345 = arith.muli %scan3A_338, %mul3A_344 : i32
        %swap3A_346 = arith.index_cast %mul3A_345 : i32 to index
        %swap3A_347 = tpu.vector_load %arg12[%swap3A_346] {strides = array<i32>} : memref<4096xf32, #tpu.memory_space<vmem>>, vector<16xf32>,
        tpu.vector_store %arg12[%swap3A_346], %gather3A_343 {strides = array<i32>} : memref<4096xf32, #tpu.memory_space<vmem>>, vector<16xf32>,
        %scan3A_348 = arith.constant 0 : i32
        %scan3A_349 = arith.constant 7 : i32
        %scan3A_350 = arith.addi %scan3A_268, %scan3A_349 : i32
        %mul3A_351 = arith.constant 16 : i32
        %mul3A_352 = arith.muli %scan3A_350, %mul3A_351 : i32
        %get3A_353 = arith.index_cast %mul3A_352 : i32 to index
        %get3A_354 = tpu.vector_load %arg7[%get3A_353] {strides = array<i32>} : memref<4096xi32, #tpu.memory_space<vmem>>, vector<16xi32>,
        %gather3A_355 = tpu.vector_load_idx %arg10[%get3A_354] : memref<16384xf32, #tpu.memory_space<vmem>>[vector<16xi32>], vector<16xf32>,
        %mul3A_356 = arith.constant 16 : i32
        %mul3A_357 = arith.muli %scan3A_350, %mul3A_356 : i32
        %swap3A_358 = arith.index_cast %mul3A_357 : i32 to index
        %swap3A_359 = tpu.vector_load %arg12[%swap3A_358] {strides = array<i32>} : memref<4096xf32, #tpu.memory_space<vmem>>, vector<16xf32>,
        tpu.vector_store %arg12[%swap3A_358], %gather3A_355 {strides = array<i32>} : memref<4096xf32, #tpu.memory_space<vmem>>, vector<16xf32>,
        %scan3A_360 = arith.constant 0 : i32
        scf.yield %scan3A_360 : i32
      }
      %scan3A_208 = arith.constant 256 : i32
      %dma_start3A_209 = arith.constant 0 : i32
      %dma_start3A_210 = tpu.memref_slice %arg6[%add3A_186, %dma_start3A_209] : memref<1536x4096xf32, #tpu.memory_space<hbm>> -> memref<1x4096xf32, #tpu.memory_space<hbm>>
      %dma_start3A_211 = tpu.memref_squeeze %dma_start3A_210 : memref<1x4096xf32, #tpu.memory_space<hbm>> -> memref<4096xf32, #tpu.memory_space<hbm>>
      %dma_start3A_212 = arith.constant 0 : i32
      %dma_start3A_213 = tpu.memref_slice %arg6[%add3A_186, %dma_start3A_212] : memref<1536x4096xf32, #tpu.memory_space<hbm>> -> memref<1x4096xf32, #tpu.memory_space<hbm>>
      %dma_start3A_214 = tpu.memref_squeeze %dma_start3A_213 : memref<1x4096xf32, #tpu.memory_space<hbm>> -> memref<4096xf32, #tpu.memory_space<hbm>>
      tpu.enqueue_dma source(%arg12 : memref<4096xf32, #tpu.memory_space<vmem>>) target(%dma_start3A_214 : memref<4096xf32, #tpu.memory_space<hbm>>) target_semaphore(%arg15 : memref<!tpu.dma_semaphore, #tpu.memory_space<semaphore_mem>>)
      %mul3A_215 = arith.constant 4 : i32
      %mul3A_216 = arith.muli %mul3A_215, %scan3A_102 : i32
      %add3A_217 = arith.constant 2 : i32
      %add3A_218 = arith.addi %mul3A_216, %add3A_217 : i32
      %add3A_219 = arith.constant 3 : i32
      %add3A_220 = arith.addi %add3A_218, %add3A_219 : i32
      %lt3A_221 = arith.constant 48 : i32
      %lt3A_222 = arith.cmpi slt, %add3A_220, %lt3A_221 : i32
      %convert_element_type3A_223 = arith.extui %lt3A_222 : i1 to i32
      %cond3A_224 = arith.constant 0 : i32
      %cond3A_225 = arith.cmpi ne, %convert_element_type3A_223, %cond3A_224 : i32
      scf.if %cond3A_225 {
        %add3A_268 = arith.constant 3 : i32
        %add3A_269 = arith.addi %add3A_186, %add3A_268 : i32
        %dma_start3A_270 = arith.constant 0 : i32
        %dma_start3A_271 = tpu.memref_slice %arg3[%add3A_269, %dma_start3A_270] : memref<1536x16384xf32, #tpu.memory_space<hbm>> -> memref<1x16384xf32, #tpu.memory_space<hbm>>
        %dma_start3A_272 = tpu.memref_squeeze %dma_start3A_271 : memref<1x16384xf32, #tpu.memory_space<hbm>> -> memref<16384xf32, #tpu.memory_space<hbm>>
        %dma_start3A_273 = arith.constant 0 : i32
        %dma_start3A_274 = tpu.memref_slice %arg3[%add3A_269, %dma_start3A_273] : memref<1536x16384xf32, #tpu.memory_space<hbm>> -> memref<1x16384xf32, #tpu.memory_space<hbm>>
        %dma_start3A_275 = tpu.memref_squeeze %dma_start3A_274 : memref<1x16384xf32, #tpu.memory_space<hbm>> -> memref<16384xf32, #tpu.memory_space<hbm>>
        tpu.enqueue_dma source(%dma_start3A_275 : memref<16384xf32, #tpu.memory_space<hbm>>) target(%arg9 : memref<16384xf32, #tpu.memory_space<vmem>>) target_semaphore(%arg14 : memref<!tpu.dma_semaphore, #tpu.memory_space<semaphore_mem>>)
      } else {
      }
      %add3A_226 = arith.constant 3 : i32
      %add3A_227 = arith.addi %add3A_106, %add3A_226 : i32
      %dma_wait3A_228 = arith.constant 0 : i32
      %dma_wait3A_229 = tpu.memref_slice %arg3[%mul3A_2, %dma_wait3A_228] : memref<1536x16384xf32, #tpu.memory_space<hbm>> -> memref<1x16384xf32, #tpu.memory_space<hbm>>
      %dma_wait3A_230 = tpu.memref_squeeze %dma_wait3A_229 : memref<1x16384xf32, #tpu.memory_space<hbm>> -> memref<16384xf32, #tpu.memory_space<hbm>>
      %dma_wait3A_231 = arith.constant 0 : i32
      %dma_wait3A_232 = tpu.memref_slice %arg3[%mul3A_2, %dma_wait3A_231] : memref<1536x16384xf32, #tpu.memory_space<hbm>> -> memref<1x16384xf32, #tpu.memory_space<hbm>>
      %dma_wait3A_233 = tpu.memref_squeeze %dma_wait3A_232 : memref<1x16384xf32, #tpu.memory_space<hbm>> -> memref<16384xf32, #tpu.memory_space<hbm>>
      tpu.wait_dma2 semaphore(%arg14 : memref<!tpu.dma_semaphore, #tpu.memory_space<semaphore_mem>>) src(%dma_wait3A_233 : memref<16384xf32, #tpu.memory_space<hbm>>) dst(%arg11 : memref<16384xf32, #tpu.memory_space<vmem>>)
      %mul3A_234 = arith.constant 4 : i32
      %mul3A_235 = arith.muli %mul3A_234, %scan3A_102 : i32
      %add3A_236 = arith.constant 3 : i32
      %add3A_237 = arith.addi %mul3A_235, %add3A_236 : i32
      %ge3A_238 = arith.constant 2 : i32
      %ge3A_239 = arith.cmpi sge, %add3A_237, %ge3A_238 : i32
      %convert_element_type3A_240 = arith.extui %ge3A_239 : i1 to i32
      %cond3A_241 = arith.constant 0 : i32
      %cond3A_242 = arith.cmpi ne, %convert_element_type3A_240, %cond3A_241 : i32
      scf.if %cond3A_242 {
        %dma_wait3A_268 = arith.constant 0 : i32
        %dma_wait3A_269 = tpu.memref_slice %arg6[%add3A_106, %dma_wait3A_268] : memref<1536x4096xf32, #tpu.memory_space<hbm>> -> memref<1x4096xf32, #tpu.memory_space<hbm>>
        %dma_wait3A_270 = tpu.memref_squeeze %dma_wait3A_269 : memref<1x4096xf32, #tpu.memory_space<hbm>> -> memref<4096xf32, #tpu.memory_space<hbm>>
        %dma_wait3A_271 = arith.constant 0 : i32
        %dma_wait3A_272 = tpu.memref_slice %arg6[%add3A_106, %dma_wait3A_271] : memref<1536x4096xf32, #tpu.memory_space<hbm>> -> memref<1x4096xf32, #tpu.memory_space<hbm>>
        %dma_wait3A_273 = tpu.memref_squeeze %dma_wait3A_272 : memref<1x4096xf32, #tpu.memory_space<hbm>> -> memref<4096xf32, #tpu.memory_space<hbm>>
        tpu.wait_dma2 semaphore(%arg16 : memref<!tpu.dma_semaphore, #tpu.memory_space<semaphore_mem>>) src(%arg13 : memref<4096xf32, #tpu.memory_space<vmem>>) dst(%dma_wait3A_273 : memref<4096xf32, #tpu.memory_space<hbm>>)
      } else {
      }
      %scan3A_243 = arith.constant 0 : i32
      %scan3A_244 = arith.constant 0 : i32
      %scan3A_245 = arith.constant 256 : i32
      %scan3A_246 = arith.addi %scan3A_244, %scan3A_245 : i32
      %scan3A_247 = arith.constant 8 : i32
      %scan3A_248 = scf.for %scan3A_268 = %scan3A_244 to %scan3A_246 step %scan3A_247 iter_args(%scan3A_269 = %scan3A_243) -> (i32)  : i32 {
        %mul3A_270 = arith.constant 16 : i32
        %mul3A_271 = arith.muli %scan3A_268, %mul3A_270 : i32
        %get3A = arith.index_cast %mul3A_271 : i32 to index
        %get3A_272 = tpu.vector_load %arg7[%get3A] {strides = array<i32>} : memref<4096xi32, #tpu.memory_space<vmem>>, vector<16xi32>,
        %gather3A = tpu.vector_load_idx %arg11[%get3A_272] : memref<16384xf32, #tpu.memory_space<vmem>>[vector<16xi32>], vector<16xf32>,
        %mul3A_273 = arith.constant 16 : i32
        %mul3A_274 = arith.muli %scan3A_268, %mul3A_273 : i32
        %swap3A = arith.index_cast %mul3A_274 : i32 to index
        %swap3A_275 = tpu.vector_load %arg13[%swap3A] {strides = array<i32>} : memref<4096xf32, #tpu.memory_space<vmem>>, vector<16xf32>,
        tpu.vector_store %arg13[%swap3A], %gather3A {strides = array<i32>} : memref<4096xf32, #tpu.memory_space<vmem>>, vector<16xf32>,
        %scan3A_276 = arith.constant 0 : i32
        %scan3A_277 = arith.constant 1 : i32
        %scan3A_278 = arith.addi %scan3A_268, %scan3A_277 : i32
        %mul3A_279 = arith.constant 16 : i32
        %mul3A_280 = arith.muli %scan3A_278, %mul3A_279 : i32
        %get3A_281 = arith.index_cast %mul3A_280 : i32 to index
        %get3A_282 = tpu.vector_load %arg7[%get3A_281] {strides = array<i32>} : memref<4096xi32, #tpu.memory_space<vmem>>, vector<16xi32>,
        %gather3A_283 = tpu.vector_load_idx %arg11[%get3A_282] : memref<16384xf32, #tpu.memory_space<vmem>>[vector<16xi32>], vector<16xf32>,
        %mul3A_284 = arith.constant 16 : i32
        %mul3A_285 = arith.muli %scan3A_278, %mul3A_284 : i32
        %swap3A_286 = arith.index_cast %mul3A_285 : i32 to index
        %swap3A_287 = tpu.vector_load %arg13[%swap3A_286] {strides = array<i32>} : memref<4096xf32, #tpu.memory_space<vmem>>, vector<16xf32>,
        tpu.vector_store %arg13[%swap3A_286], %gather3A_283 {strides = array<i32>} : memref<4096xf32, #tpu.memory_space<vmem>>, vector<16xf32>,
        %scan3A_288 = arith.constant 0 : i32
        %scan3A_289 = arith.constant 2 : i32
        %scan3A_290 = arith.addi %scan3A_268, %scan3A_289 : i32
        %mul3A_291 = arith.constant 16 : i32
        %mul3A_292 = arith.muli %scan3A_290, %mul3A_291 : i32
        %get3A_293 = arith.index_cast %mul3A_292 : i32 to index
        %get3A_294 = tpu.vector_load %arg7[%get3A_293] {strides = array<i32>} : memref<4096xi32, #tpu.memory_space<vmem>>, vector<16xi32>,
        %gather3A_295 = tpu.vector_load_idx %arg11[%get3A_294] : memref<16384xf32, #tpu.memory_space<vmem>>[vector<16xi32>], vector<16xf32>,
        %mul3A_296 = arith.constant 16 : i32
        %mul3A_297 = arith.muli %scan3A_290, %mul3A_296 : i32
        %swap3A_298 = arith.index_cast %mul3A_297 : i32 to index
        %swap3A_299 = tpu.vector_load %arg13[%swap3A_298] {strides = array<i32>} : memref<4096xf32, #tpu.memory_space<vmem>>, vector<16xf32>,
        tpu.vector_store %arg13[%swap3A_298], %gather3A_295 {strides = array<i32>} : memref<4096xf32, #tpu.memory_space<vmem>>, vector<16xf32>,
        %scan3A_300 = arith.constant 0 : i32
        %scan3A_301 = arith.constant 3 : i32
        %scan3A_302 = arith.addi %scan3A_268, %scan3A_301 : i32
        %mul3A_303 = arith.constant 16 : i32
        %mul3A_304 = arith.muli %scan3A_302, %mul3A_303 : i32
        %get3A_305 = arith.index_cast %mul3A_304 : i32 to index
        %get3A_306 = tpu.vector_load %arg7[%get3A_305] {strides = array<i32>} : memref<4096xi32, #tpu.memory_space<vmem>>, vector<16xi32>,
        %gather3A_307 = tpu.vector_load_idx %arg11[%get3A_306] : memref<16384xf32, #tpu.memory_space<vmem>>[vector<16xi32>], vector<16xf32>,
        %mul3A_308 = arith.constant 16 : i32
        %mul3A_309 = arith.muli %scan3A_302, %mul3A_308 : i32
        %swap3A_310 = arith.index_cast %mul3A_309 : i32 to index
        %swap3A_311 = tpu.vector_load %arg13[%swap3A_310] {strides = array<i32>} : memref<4096xf32, #tpu.memory_space<vmem>>, vector<16xf32>,
        tpu.vector_store %arg13[%swap3A_310], %gather3A_307 {strides = array<i32>} : memref<4096xf32, #tpu.memory_space<vmem>>, vector<16xf32>,
        %scan3A_312 = arith.constant 0 : i32
        %scan3A_313 = arith.constant 4 : i32
        %scan3A_314 = arith.addi %scan3A_268, %scan3A_313 : i32
        %mul3A_315 = arith.constant 16 : i32
        %mul3A_316 = arith.muli %scan3A_314, %mul3A_315 : i32
        %get3A_317 = arith.index_cast %mul3A_316 : i32 to index
        %get3A_318 = tpu.vector_load %arg7[%get3A_317] {strides = array<i32>} : memref<4096xi32, #tpu.memory_space<vmem>>, vector<16xi32>,
        %gather3A_319 = tpu.vector_load_idx %arg11[%get3A_318] : memref<16384xf32, #tpu.memory_space<vmem>>[vector<16xi32>], vector<16xf32>,
        %mul3A_320 = arith.constant 16 : i32
        %mul3A_321 = arith.muli %scan3A_314, %mul3A_320 : i32
        %swap3A_322 = arith.index_cast %mul3A_321 : i32 to index
        %swap3A_323 = tpu.vector_load %arg13[%swap3A_322] {strides = array<i32>} : memref<4096xf32, #tpu.memory_space<vmem>>, vector<16xf32>,
        tpu.vector_store %arg13[%swap3A_322], %gather3A_319 {strides = array<i32>} : memref<4096xf32, #tpu.memory_space<vmem>>, vector<16xf32>,
        %scan3A_324 = arith.constant 0 : i32
        %scan3A_325 = arith.constant 5 : i32
        %scan3A_326 = arith.addi %scan3A_268, %scan3A_325 : i32
        %mul3A_327 = arith.constant 16 : i32
        %mul3A_328 = arith.muli %scan3A_326, %mul3A_327 : i32
        %get3A_329 = arith.index_cast %mul3A_328 : i32 to index
        %get3A_330 = tpu.vector_load %arg7[%get3A_329] {strides = array<i32>} : memref<4096xi32, #tpu.memory_space<vmem>>, vector<16xi32>,
        %gather3A_331 = tpu.vector_load_idx %arg11[%get3A_330] : memref<16384xf32, #tpu.memory_space<vmem>>[vector<16xi32>], vector<16xf32>,
        %mul3A_332 = arith.constant 16 : i32
        %mul3A_333 = arith.muli %scan3A_326, %mul3A_332 : i32
        %swap3A_334 = arith.index_cast %mul3A_333 : i32 to index
        %swap3A_335 = tpu.vector_load %arg13[%swap3A_334] {strides = array<i32>} : memref<4096xf32, #tpu.memory_space<vmem>>, vector<16xf32>,
        tpu.vector_store %arg13[%swap3A_334], %gather3A_331 {strides = array<i32>} : memref<4096xf32, #tpu.memory_space<vmem>>, vector<16xf32>,
        %scan3A_336 = arith.constant 0 : i32
        %scan3A_337 = arith.constant 6 : i32
        %scan3A_338 = arith.addi %scan3A_268, %scan3A_337 : i32
        %mul3A_339 = arith.constant 16 : i32
        %mul3A_340 = arith.muli %scan3A_338, %mul3A_339 : i32
        %get3A_341 = arith.index_cast %mul3A_340 : i32 to index
        %get3A_342 = tpu.vector_load %arg7[%get3A_341] {strides = array<i32>} : memref<4096xi32, #tpu.memory_space<vmem>>, vector<16xi32>,
        %gather3A_343 = tpu.vector_load_idx %arg11[%get3A_342] : memref<16384xf32, #tpu.memory_space<vmem>>[vector<16xi32>], vector<16xf32>,
        %mul3A_344 = arith.constant 16 : i32
        %mul3A_345 = arith.muli %scan3A_338, %mul3A_344 : i32
        %swap3A_346 = arith.index_cast %mul3A_345 : i32 to index
        %swap3A_347 = tpu.vector_load %arg13[%swap3A_346] {strides = array<i32>} : memref<4096xf32, #tpu.memory_space<vmem>>, vector<16xf32>,
        tpu.vector_store %arg13[%swap3A_346], %gather3A_343 {strides = array<i32>} : memref<4096xf32, #tpu.memory_space<vmem>>, vector<16xf32>,
        %scan3A_348 = arith.constant 0 : i32
        %scan3A_349 = arith.constant 7 : i32
        %scan3A_350 = arith.addi %scan3A_268, %scan3A_349 : i32
        %mul3A_351 = arith.constant 16 : i32
        %mul3A_352 = arith.muli %scan3A_350, %mul3A_351 : i32
        %get3A_353 = arith.index_cast %mul3A_352 : i32 to index
        %get3A_354 = tpu.vector_load %arg7[%get3A_353] {strides = array<i32>} : memref<4096xi32, #tpu.memory_space<vmem>>, vector<16xi32>,
        %gather3A_355 = tpu.vector_load_idx %arg11[%get3A_354] : memref<16384xf32, #tpu.memory_space<vmem>>[vector<16xi32>], vector<16xf32>,
        %mul3A_356 = arith.constant 16 : i32
        %mul3A_357 = arith.muli %scan3A_350, %mul3A_356 : i32
        %swap3A_358 = arith.index_cast %mul3A_357 : i32 to index
        %swap3A_359 = tpu.vector_load %arg13[%swap3A_358] {strides = array<i32>} : memref<4096xf32, #tpu.memory_space<vmem>>, vector<16xf32>,
        tpu.vector_store %arg13[%swap3A_358], %gather3A_355 {strides = array<i32>} : memref<4096xf32, #tpu.memory_space<vmem>>, vector<16xf32>,
        %scan3A_360 = arith.constant 0 : i32
        scf.yield %scan3A_360 : i32
      }
      %scan3A_249 = arith.constant 256 : i32
      %dma_start3A_250 = arith.constant 0 : i32
      %dma_start3A_251 = tpu.memref_slice %arg6[%add3A_227, %dma_start3A_250] : memref<1536x4096xf32, #tpu.memory_space<hbm>> -> memref<1x4096xf32, #tpu.memory_space<hbm>>
      %dma_start3A_252 = tpu.memref_squeeze %dma_start3A_251 : memref<1x4096xf32, #tpu.memory_space<hbm>> -> memref<4096xf32, #tpu.memory_space<hbm>>
      %dma_start3A_253 = arith.constant 0 : i32
      %dma_start3A_254 = tpu.memref_slice %arg6[%add3A_227, %dma_start3A_253] : memref<1536x4096xf32, #tpu.memory_space<hbm>> -> memref<1x4096xf32, #tpu.memory_space<hbm>>
      %dma_start3A_255 = tpu.memref_squeeze %dma_start3A_254 : memref<1x4096xf32, #tpu.memory_space<hbm>> -> memref<4096xf32, #tpu.memory_space<hbm>>
      tpu.enqueue_dma source(%arg13 : memref<4096xf32, #tpu.memory_space<vmem>>) target(%dma_start3A_255 : memref<4096xf32, #tpu.memory_space<hbm>>) target_semaphore(%arg16 : memref<!tpu.dma_semaphore, #tpu.memory_space<semaphore_mem>>)
      %mul3A_256 = arith.constant 4 : i32
      %mul3A_257 = arith.muli %mul3A_256, %scan3A_102 : i32
      %add3A_258 = arith.constant 3 : i32
      %add3A_259 = arith.addi %mul3A_257, %add3A_258 : i32
      %add3A_260 = arith.constant 3 : i32
      %add3A_261 = arith.addi %add3A_259, %add3A_260 : i32
      %lt3A_262 = arith.constant 48 : i32
      %lt3A_263 = arith.cmpi slt, %add3A_261, %lt3A_262 : i32
      %convert_element_type3A_264 = arith.extui %lt3A_263 : i1 to i32
      %cond3A_265 = arith.constant 0 : i32
      %cond3A_266 = arith.cmpi ne, %convert_element_type3A_264, %cond3A_265 : i32
      scf.if %cond3A_266 {
        %add3A_268 = arith.constant 3 : i32
        %add3A_269 = arith.addi %add3A_227, %add3A_268 : i32
        %dma_start3A_270 = arith.constant 0 : i32
        %dma_start3A_271 = tpu.memref_slice %arg3[%add3A_269, %dma_start3A_270] : memref<1536x16384xf32, #tpu.memory_space<hbm>> -> memref<1x16384xf32, #tpu.memory_space<hbm>>
        %dma_start3A_272 = tpu.memref_squeeze %dma_start3A_271 : memref<1x16384xf32, #tpu.memory_space<hbm>> -> memref<16384xf32, #tpu.memory_space<hbm>>
        %dma_start3A_273 = arith.constant 0 : i32
        %dma_start3A_274 = tpu.memref_slice %arg3[%add3A_269, %dma_start3A_273] : memref<1536x16384xf32, #tpu.memory_space<hbm>> -> memref<1x16384xf32, #tpu.memory_space<hbm>>
        %dma_start3A_275 = tpu.memref_squeeze %dma_start3A_274 : memref<1x16384xf32, #tpu.memory_space<hbm>> -> memref<16384xf32, #tpu.memory_space<hbm>>
        tpu.enqueue_dma source(%dma_start3A_275 : memref<16384xf32, #tpu.memory_space<hbm>>) target(%arg10 : memref<16384xf32, #tpu.memory_space<vmem>>) target_semaphore(%arg14 : memref<!tpu.dma_semaphore, #tpu.memory_space<semaphore_mem>>)
      } else {
      }
      %scan3A_267 = arith.constant 0 : i32
      scf.yield %scan3A_267 : i32
    }
    %scan3A_89 = arith.constant 12 : i32
    %dma_wait3A_90 = arith.constant 0 : i32
    %dma_wait3A_91 = tpu.memref_slice %arg6[%mul3A_2, %dma_wait3A_90] : memref<1536x4096xf32, #tpu.memory_space<hbm>> -> memref<1x4096xf32, #tpu.memory_space<hbm>>
    %dma_wait3A_92 = tpu.memref_squeeze %dma_wait3A_91 : memref<1x4096xf32, #tpu.memory_space<hbm>> -> memref<4096xf32, #tpu.memory_space<hbm>>
    %dma_wait3A_93 = arith.constant 0 : i32
    %dma_wait3A_94 = tpu.memref_slice %arg6[%mul3A_2, %dma_wait3A_93] : memref<1536x4096xf32, #tpu.memory_space<hbm>> -> memref<1x4096xf32, #tpu.memory_space<hbm>>
    %dma_wait3A_95 = tpu.memref_squeeze %dma_wait3A_94 : memref<1x4096xf32, #tpu.memory_space<hbm>> -> memref<4096xf32, #tpu.memory_space<hbm>>
    tpu.wait_dma2 semaphore(%arg15 : memref<!tpu.dma_semaphore, #tpu.memory_space<semaphore_mem>>) src(%arg12 : memref<4096xf32, #tpu.memory_space<vmem>>) dst(%dma_wait3A_95 : memref<4096xf32, #tpu.memory_space<hbm>>)
    %dma_wait3A_96 = arith.constant 0 : i32
    %dma_wait3A_97 = tpu.memref_slice %arg6[%mul3A_2, %dma_wait3A_96] : memref<1536x4096xf32, #tpu.memory_space<hbm>> -> memref<1x4096xf32, #tpu.memory_space<hbm>>
    %dma_wait3A_98 = tpu.memref_squeeze %dma_wait3A_97 : memref<1x4096xf32, #tpu.memory_space<hbm>> -> memref<4096xf32, #tpu.memory_space<hbm>>
    %dma_wait3A_99 = arith.constant 0 : i32
    %dma_wait3A_100 = tpu.memref_slice %arg6[%mul3A_2, %dma_wait3A_99] : memref<1536x4096xf32, #tpu.memory_space<hbm>> -> memref<1x4096xf32, #tpu.memory_space<hbm>>
    %dma_wait3A_101 = tpu.memref_squeeze %dma_wait3A_100 : memref<1x4096xf32, #tpu.memory_space<hbm>> -> memref<4096xf32, #tpu.memory_space<hbm>>
    tpu.wait_dma2 semaphore(%arg16 : memref<!tpu.dma_semaphore, #tpu.memory_space<semaphore_mem>>) src(%arg13 : memref<4096xf32, #tpu.memory_space<vmem>>) dst(%dma_wait3A_101 : memref<4096xf32, #tpu.memory_space<hbm>>)
    return
  }
}

module attributes {stable_mosaic.version = 14 : i64} {
  func.func @body(%arg0: i32, %arg1: i32, %arg2: memref<1x3x128x4096xf32, #tpu.memory_space<vmem>>, %arg3: memref<1x3x128x4096xf32, #tpu.memory_space<vmem>>, %arg4: memref<1x1x4096xf32, #tpu.memory_space<vmem>>) attributes {dimension_semantics = [#tpu.dimension_semantics<arbitrary>, #tpu.dimension_semantics<arbitrary>], iteration_bounds = array<i64: 4, 4>, scalar_prefetch = 0 : i64, scratch_operands = 0 : i64, tpu.core_type = #tpu.core_type<tc>, window_params = [{transform_indices = @transform_0, window_bounds = array<i64: 1, 3, 128, 4096>}, {transform_indices = @transform_1, window_bounds = array<i64: 1, 3, 128, 4096>}, {transform_indices = @transform_2, window_bounds = array<i64: 1, 1, 4096>}]} {
    %get3A = arith.constant 0 : index
    %get3A_0 = arith.constant 0 : index
    %get3A_1 = arith.constant 0 : index
    %get3A_2 = arith.constant 0 : index
    %get3A_3 = vector.load %arg2[%get3A, %get3A_0, %get3A_1, %get3A_2] : memref<1x3x128x4096xf32, #tpu.memory_space<vmem>>, vector<1x3x128x4096xf32>
    %get3A_4 = vector.shape_cast %get3A_3 : vector<1x3x128x4096xf32> to vector<3x128x4096xf32>
    %get3A_5 = arith.constant 0 : index
    %get3A_6 = arith.constant 0 : index
    %get3A_7 = arith.constant 0 : index
    %get3A_8 = arith.constant 0 : index
    %get3A_9 = vector.load %arg3[%get3A_5, %get3A_6, %get3A_7, %get3A_8] : memref<1x3x128x4096xf32, #tpu.memory_space<vmem>>, vector<1x3x128x4096xf32>
    %get3A_10 = vector.shape_cast %get3A_9 : vector<1x3x128x4096xf32> to vector<3x128x4096xf32>
    %slice3A = vector.extract_strided_slice %get3A_4 {offsets = [0, 0, 0], sizes = [3, 8, 4096], strides = [1, 1, 1]} : vector<3x128x4096xf32> to vector<3x8x4096xf32>
    %slice3A_11 = vector.extract_strided_slice %get3A_4 {offsets = [0, 8, 0], sizes = [3, 8, 4096], strides = [1, 1, 1]} : vector<3x128x4096xf32> to vector<3x8x4096xf32>
    %add3A = arith.addf %slice3A, %slice3A_11 : vector<3x8x4096xf32>
    %slice3A_12 = vector.extract_strided_slice %get3A_4 {offsets = [0, 16, 0], sizes = [3, 8, 4096], strides = [1, 1, 1]} : vector<3x128x4096xf32> to vector<3x8x4096xf32>
    %add3A_13 = arith.addf %add3A, %slice3A_12 : vector<3x8x4096xf32>
    %slice3A_14 = vector.extract_strided_slice %get3A_4 {offsets = [0, 24, 0], sizes = [3, 8, 4096], strides = [1, 1, 1]} : vector<3x128x4096xf32> to vector<3x8x4096xf32>
    %add3A_15 = arith.addf %add3A_13, %slice3A_14 : vector<3x8x4096xf32>
    %slice3A_16 = vector.extract_strided_slice %get3A_4 {offsets = [0, 32, 0], sizes = [3, 8, 4096], strides = [1, 1, 1]} : vector<3x128x4096xf32> to vector<3x8x4096xf32>
    %add3A_17 = arith.addf %add3A_15, %slice3A_16 : vector<3x8x4096xf32>
    %slice3A_18 = vector.extract_strided_slice %get3A_4 {offsets = [0, 40, 0], sizes = [3, 8, 4096], strides = [1, 1, 1]} : vector<3x128x4096xf32> to vector<3x8x4096xf32>
    %add3A_19 = arith.addf %add3A_17, %slice3A_18 : vector<3x8x4096xf32>
    %slice3A_20 = vector.extract_strided_slice %get3A_4 {offsets = [0, 48, 0], sizes = [3, 8, 4096], strides = [1, 1, 1]} : vector<3x128x4096xf32> to vector<3x8x4096xf32>
    %add3A_21 = arith.addf %add3A_19, %slice3A_20 : vector<3x8x4096xf32>
    %slice3A_22 = vector.extract_strided_slice %get3A_4 {offsets = [0, 56, 0], sizes = [3, 8, 4096], strides = [1, 1, 1]} : vector<3x128x4096xf32> to vector<3x8x4096xf32>
    %add3A_23 = arith.addf %add3A_21, %slice3A_22 : vector<3x8x4096xf32>
    %slice3A_24 = vector.extract_strided_slice %get3A_4 {offsets = [0, 64, 0], sizes = [3, 8, 4096], strides = [1, 1, 1]} : vector<3x128x4096xf32> to vector<3x8x4096xf32>
    %add3A_25 = arith.addf %add3A_23, %slice3A_24 : vector<3x8x4096xf32>
    %slice3A_26 = vector.extract_strided_slice %get3A_4 {offsets = [0, 72, 0], sizes = [3, 8, 4096], strides = [1, 1, 1]} : vector<3x128x4096xf32> to vector<3x8x4096xf32>
    %add3A_27 = arith.addf %add3A_25, %slice3A_26 : vector<3x8x4096xf32>
    %slice3A_28 = vector.extract_strided_slice %get3A_4 {offsets = [0, 80, 0], sizes = [3, 8, 4096], strides = [1, 1, 1]} : vector<3x128x4096xf32> to vector<3x8x4096xf32>
    %add3A_29 = arith.addf %add3A_27, %slice3A_28 : vector<3x8x4096xf32>
    %slice3A_30 = vector.extract_strided_slice %get3A_4 {offsets = [0, 88, 0], sizes = [3, 8, 4096], strides = [1, 1, 1]} : vector<3x128x4096xf32> to vector<3x8x4096xf32>
    %add3A_31 = arith.addf %add3A_29, %slice3A_30 : vector<3x8x4096xf32>
    %slice3A_32 = vector.extract_strided_slice %get3A_4 {offsets = [0, 96, 0], sizes = [3, 8, 4096], strides = [1, 1, 1]} : vector<3x128x4096xf32> to vector<3x8x4096xf32>
    %add3A_33 = arith.addf %add3A_31, %slice3A_32 : vector<3x8x4096xf32>
    %slice3A_34 = vector.extract_strided_slice %get3A_4 {offsets = [0, 104, 0], sizes = [3, 8, 4096], strides = [1, 1, 1]} : vector<3x128x4096xf32> to vector<3x8x4096xf32>
    %add3A_35 = arith.addf %add3A_33, %slice3A_34 : vector<3x8x4096xf32>
    %slice3A_36 = vector.extract_strided_slice %get3A_4 {offsets = [0, 112, 0], sizes = [3, 8, 4096], strides = [1, 1, 1]} : vector<3x128x4096xf32> to vector<3x8x4096xf32>
    %add3A_37 = arith.addf %add3A_35, %slice3A_36 : vector<3x8x4096xf32>
    %slice3A_38 = vector.extract_strided_slice %get3A_4 {offsets = [0, 120, 0], sizes = [3, 8, 4096], strides = [1, 1, 1]} : vector<3x128x4096xf32> to vector<3x8x4096xf32>
    %add3A_39 = arith.addf %add3A_37, %slice3A_38 : vector<3x8x4096xf32>
    %slice3A_40 = vector.extract_strided_slice %add3A_39 {offsets = [0, 0, 0], sizes = [3, 1, 4096], strides = [1, 1, 1]} : vector<3x8x4096xf32> to vector<3x1x4096xf32>
    %slice3A_41 = vector.extract_strided_slice %add3A_39 {offsets = [0, 1, 0], sizes = [3, 1, 4096], strides = [1, 1, 1]} : vector<3x8x4096xf32> to vector<3x1x4096xf32>
    %slice3A_42 = vector.extract_strided_slice %add3A_39 {offsets = [0, 2, 0], sizes = [3, 1, 4096], strides = [1, 1, 1]} : vector<3x8x4096xf32> to vector<3x1x4096xf32>
    %slice3A_43 = vector.extract_strided_slice %add3A_39 {offsets = [0, 3, 0], sizes = [3, 1, 4096], strides = [1, 1, 1]} : vector<3x8x4096xf32> to vector<3x1x4096xf32>
    %slice3A_44 = vector.extract_strided_slice %add3A_39 {offsets = [0, 4, 0], sizes = [3, 1, 4096], strides = [1, 1, 1]} : vector<3x8x4096xf32> to vector<3x1x4096xf32>
    %slice3A_45 = vector.extract_strided_slice %add3A_39 {offsets = [0, 5, 0], sizes = [3, 1, 4096], strides = [1, 1, 1]} : vector<3x8x4096xf32> to vector<3x1x4096xf32>
    %slice3A_46 = vector.extract_strided_slice %add3A_39 {offsets = [0, 6, 0], sizes = [3, 1, 4096], strides = [1, 1, 1]} : vector<3x8x4096xf32> to vector<3x1x4096xf32>
    %slice3A_47 = vector.extract_strided_slice %add3A_39 {offsets = [0, 7, 0], sizes = [3, 1, 4096], strides = [1, 1, 1]} : vector<3x8x4096xf32> to vector<3x1x4096xf32>
    %add3A_48 = arith.addf %slice3A_40, %slice3A_44 : vector<3x1x4096xf32>
    %add3A_49 = arith.addf %slice3A_41, %slice3A_45 : vector<3x1x4096xf32>
    %add3A_50 = arith.addf %slice3A_42, %slice3A_46 : vector<3x1x4096xf32>
    %add3A_51 = arith.addf %slice3A_43, %slice3A_47 : vector<3x1x4096xf32>
    %add3A_52 = arith.addf %add3A_48, %add3A_50 : vector<3x1x4096xf32>
    %add3A_53 = arith.addf %add3A_49, %add3A_51 : vector<3x1x4096xf32>
    %add3A_54 = arith.addf %add3A_52, %add3A_53 : vector<3x1x4096xf32>
    %squeeze3A = vector.shape_cast %add3A_54 : vector<3x1x4096xf32> to vector<3x4096xf32>
    %mul3A = arith.constant 7.812500e-03 : f32
    %mul3A_55 = vector.broadcast %mul3A : f32 to vector<3x4096xf32>
    %mul3A_56 = arith.mulf %squeeze3A, %mul3A_55 : vector<3x4096xf32>
    %slice3A_57 = vector.extract_strided_slice %get3A_10 {offsets = [0, 0, 0], sizes = [3, 8, 4096], strides = [1, 1, 1]} : vector<3x128x4096xf32> to vector<3x8x4096xf32>
    %slice3A_58 = vector.extract_strided_slice %get3A_10 {offsets = [0, 8, 0], sizes = [3, 8, 4096], strides = [1, 1, 1]} : vector<3x128x4096xf32> to vector<3x8x4096xf32>
    %add3A_59 = arith.addf %slice3A_57, %slice3A_58 : vector<3x8x4096xf32>
    %slice3A_60 = vector.extract_strided_slice %get3A_10 {offsets = [0, 16, 0], sizes = [3, 8, 4096], strides = [1, 1, 1]} : vector<3x128x4096xf32> to vector<3x8x4096xf32>
    %add3A_61 = arith.addf %add3A_59, %slice3A_60 : vector<3x8x4096xf32>
    %slice3A_62 = vector.extract_strided_slice %get3A_10 {offsets = [0, 24, 0], sizes = [3, 8, 4096], strides = [1, 1, 1]} : vector<3x128x4096xf32> to vector<3x8x4096xf32>
    %add3A_63 = arith.addf %add3A_61, %slice3A_62 : vector<3x8x4096xf32>
    %slice3A_64 = vector.extract_strided_slice %get3A_10 {offsets = [0, 32, 0], sizes = [3, 8, 4096], strides = [1, 1, 1]} : vector<3x128x4096xf32> to vector<3x8x4096xf32>
    %add3A_65 = arith.addf %add3A_63, %slice3A_64 : vector<3x8x4096xf32>
    %slice3A_66 = vector.extract_strided_slice %get3A_10 {offsets = [0, 40, 0], sizes = [3, 8, 4096], strides = [1, 1, 1]} : vector<3x128x4096xf32> to vector<3x8x4096xf32>
    %add3A_67 = arith.addf %add3A_65, %slice3A_66 : vector<3x8x4096xf32>
    %slice3A_68 = vector.extract_strided_slice %get3A_10 {offsets = [0, 48, 0], sizes = [3, 8, 4096], strides = [1, 1, 1]} : vector<3x128x4096xf32> to vector<3x8x4096xf32>
    %add3A_69 = arith.addf %add3A_67, %slice3A_68 : vector<3x8x4096xf32>
    %slice3A_70 = vector.extract_strided_slice %get3A_10 {offsets = [0, 56, 0], sizes = [3, 8, 4096], strides = [1, 1, 1]} : vector<3x128x4096xf32> to vector<3x8x4096xf32>
    %add3A_71 = arith.addf %add3A_69, %slice3A_70 : vector<3x8x4096xf32>
    %slice3A_72 = vector.extract_strided_slice %get3A_10 {offsets = [0, 64, 0], sizes = [3, 8, 4096], strides = [1, 1, 1]} : vector<3x128x4096xf32> to vector<3x8x4096xf32>
    %add3A_73 = arith.addf %add3A_71, %slice3A_72 : vector<3x8x4096xf32>
    %slice3A_74 = vector.extract_strided_slice %get3A_10 {offsets = [0, 72, 0], sizes = [3, 8, 4096], strides = [1, 1, 1]} : vector<3x128x4096xf32> to vector<3x8x4096xf32>
    %add3A_75 = arith.addf %add3A_73, %slice3A_74 : vector<3x8x4096xf32>
    %slice3A_76 = vector.extract_strided_slice %get3A_10 {offsets = [0, 80, 0], sizes = [3, 8, 4096], strides = [1, 1, 1]} : vector<3x128x4096xf32> to vector<3x8x4096xf32>
    %add3A_77 = arith.addf %add3A_75, %slice3A_76 : vector<3x8x4096xf32>
    %slice3A_78 = vector.extract_strided_slice %get3A_10 {offsets = [0, 88, 0], sizes = [3, 8, 4096], strides = [1, 1, 1]} : vector<3x128x4096xf32> to vector<3x8x4096xf32>
    %add3A_79 = arith.addf %add3A_77, %slice3A_78 : vector<3x8x4096xf32>
    %slice3A_80 = vector.extract_strided_slice %get3A_10 {offsets = [0, 96, 0], sizes = [3, 8, 4096], strides = [1, 1, 1]} : vector<3x128x4096xf32> to vector<3x8x4096xf32>
    %add3A_81 = arith.addf %add3A_79, %slice3A_80 : vector<3x8x4096xf32>
    %slice3A_82 = vector.extract_strided_slice %get3A_10 {offsets = [0, 104, 0], sizes = [3, 8, 4096], strides = [1, 1, 1]} : vector<3x128x4096xf32> to vector<3x8x4096xf32>
    %add3A_83 = arith.addf %add3A_81, %slice3A_82 : vector<3x8x4096xf32>
    %slice3A_84 = vector.extract_strided_slice %get3A_10 {offsets = [0, 112, 0], sizes = [3, 8, 4096], strides = [1, 1, 1]} : vector<3x128x4096xf32> to vector<3x8x4096xf32>
    %add3A_85 = arith.addf %add3A_83, %slice3A_84 : vector<3x8x4096xf32>
    %slice3A_86 = vector.extract_strided_slice %get3A_10 {offsets = [0, 120, 0], sizes = [3, 8, 4096], strides = [1, 1, 1]} : vector<3x128x4096xf32> to vector<3x8x4096xf32>
    %add3A_87 = arith.addf %add3A_85, %slice3A_86 : vector<3x8x4096xf32>
    %slice3A_88 = vector.extract_strided_slice %add3A_87 {offsets = [0, 0, 0], sizes = [3, 1, 4096], strides = [1, 1, 1]} : vector<3x8x4096xf32> to vector<3x1x4096xf32>
    %slice3A_89 = vector.extract_strided_slice %add3A_87 {offsets = [0, 1, 0], sizes = [3, 1, 4096], strides = [1, 1, 1]} : vector<3x8x4096xf32> to vector<3x1x4096xf32>
    %slice3A_90 = vector.extract_strided_slice %add3A_87 {offsets = [0, 2, 0], sizes = [3, 1, 4096], strides = [1, 1, 1]} : vector<3x8x4096xf32> to vector<3x1x4096xf32>
    %slice3A_91 = vector.extract_strided_slice %add3A_87 {offsets = [0, 3, 0], sizes = [3, 1, 4096], strides = [1, 1, 1]} : vector<3x8x4096xf32> to vector<3x1x4096xf32>
    %slice3A_92 = vector.extract_strided_slice %add3A_87 {offsets = [0, 4, 0], sizes = [3, 1, 4096], strides = [1, 1, 1]} : vector<3x8x4096xf32> to vector<3x1x4096xf32>
    %slice3A_93 = vector.extract_strided_slice %add3A_87 {offsets = [0, 5, 0], sizes = [3, 1, 4096], strides = [1, 1, 1]} : vector<3x8x4096xf32> to vector<3x1x4096xf32>
    %slice3A_94 = vector.extract_strided_slice %add3A_87 {offsets = [0, 6, 0], sizes = [3, 1, 4096], strides = [1, 1, 1]} : vector<3x8x4096xf32> to vector<3x1x4096xf32>
    %slice3A_95 = vector.extract_strided_slice %add3A_87 {offsets = [0, 7, 0], sizes = [3, 1, 4096], strides = [1, 1, 1]} : vector<3x8x4096xf32> to vector<3x1x4096xf32>
    %add3A_96 = arith.addf %slice3A_88, %slice3A_92 : vector<3x1x4096xf32>
    %add3A_97 = arith.addf %slice3A_89, %slice3A_93 : vector<3x1x4096xf32>
    %add3A_98 = arith.addf %slice3A_90, %slice3A_94 : vector<3x1x4096xf32>
    %add3A_99 = arith.addf %slice3A_91, %slice3A_95 : vector<3x1x4096xf32>
    %add3A_100 = arith.addf %add3A_96, %add3A_98 : vector<3x1x4096xf32>
    %add3A_101 = arith.addf %add3A_97, %add3A_99 : vector<3x1x4096xf32>
    %add3A_102 = arith.addf %add3A_100, %add3A_101 : vector<3x1x4096xf32>
    %squeeze3A_103 = vector.shape_cast %add3A_102 : vector<3x1x4096xf32> to vector<3x4096xf32>
    %mul3A_104 = arith.constant 7.812500e-03 : f32
    %mul3A_105 = vector.broadcast %mul3A_104 : f32 to vector<3x4096xf32>
    %mul3A_106 = arith.mulf %squeeze3A_103, %mul3A_105 : vector<3x4096xf32>
    %slice3A_107 = vector.extract_strided_slice %mul3A_56 {offsets = [0, 0], sizes = [1, 4096], strides = [1, 1]} : vector<3x4096xf32> to vector<1x4096xf32>
    %slice3A_108 = vector.extract_strided_slice %mul3A_56 {offsets = [0, 0], sizes = [1, 4096], strides = [1, 1]} : vector<3x4096xf32> to vector<1x4096xf32>
    %mul3A_109 = arith.mulf %slice3A_107, %slice3A_108 : vector<1x4096xf32>
    %slice3A_110 = vector.extract_strided_slice %mul3A_56 {offsets = [2, 0], sizes = [1, 4096], strides = [1, 1]} : vector<3x4096xf32> to vector<1x4096xf32>
    %slice3A_111 = vector.extract_strided_slice %mul3A_56 {offsets = [2, 0], sizes = [1, 4096], strides = [1, 1]} : vector<3x4096xf32> to vector<1x4096xf32>
    %mul3A_112 = arith.mulf %slice3A_110, %slice3A_111 : vector<1x4096xf32>
    %add3A_113 = arith.addf %mul3A_109, %mul3A_112 : vector<1x4096xf32>
    %slice3A_114 = vector.extract_strided_slice %mul3A_56 {offsets = [1, 0], sizes = [1, 4096], strides = [1, 1]} : vector<3x4096xf32> to vector<1x4096xf32>
    %slice3A_115 = vector.extract_strided_slice %mul3A_56 {offsets = [1, 0], sizes = [1, 4096], strides = [1, 1]} : vector<3x4096xf32> to vector<1x4096xf32>
    %mul3A_116 = arith.mulf %slice3A_114, %slice3A_115 : vector<1x4096xf32>
    %add3A_117 = arith.addf %add3A_113, %mul3A_116 : vector<1x4096xf32>
    %sqrt3A = math.sqrt %add3A_117 : vector<1x4096xf32>
    %add3A_118 = arith.constant 9.99999997E-7 : f32
    %add3A_119 = vector.broadcast %add3A_118 : f32 to vector<1x4096xf32>
    %add3A_120 = arith.addf %sqrt3A, %add3A_119 : vector<1x4096xf32>
    %slice3A_121 = vector.extract_strided_slice %mul3A_106 {offsets = [0, 0], sizes = [1, 4096], strides = [1, 1]} : vector<3x4096xf32> to vector<1x4096xf32>
    %slice3A_122 = vector.extract_strided_slice %mul3A_106 {offsets = [0, 0], sizes = [1, 4096], strides = [1, 1]} : vector<3x4096xf32> to vector<1x4096xf32>
    %mul3A_123 = arith.mulf %slice3A_121, %slice3A_122 : vector<1x4096xf32>
    %slice3A_124 = vector.extract_strided_slice %mul3A_106 {offsets = [2, 0], sizes = [1, 4096], strides = [1, 1]} : vector<3x4096xf32> to vector<1x4096xf32>
    %slice3A_125 = vector.extract_strided_slice %mul3A_106 {offsets = [2, 0], sizes = [1, 4096], strides = [1, 1]} : vector<3x4096xf32> to vector<1x4096xf32>
    %mul3A_126 = arith.mulf %slice3A_124, %slice3A_125 : vector<1x4096xf32>
    %add3A_127 = arith.addf %mul3A_123, %mul3A_126 : vector<1x4096xf32>
    %slice3A_128 = vector.extract_strided_slice %mul3A_106 {offsets = [1, 0], sizes = [1, 4096], strides = [1, 1]} : vector<3x4096xf32> to vector<1x4096xf32>
    %slice3A_129 = vector.extract_strided_slice %mul3A_106 {offsets = [1, 0], sizes = [1, 4096], strides = [1, 1]} : vector<3x4096xf32> to vector<1x4096xf32>
    %mul3A_130 = arith.mulf %slice3A_128, %slice3A_129 : vector<1x4096xf32>
    %add3A_131 = arith.addf %add3A_127, %mul3A_130 : vector<1x4096xf32>
    %sqrt3A_132 = math.sqrt %add3A_131 : vector<1x4096xf32>
    %add3A_133 = arith.constant 9.99999997E-7 : f32
    %add3A_134 = vector.broadcast %add3A_133 : f32 to vector<1x4096xf32>
    %add3A_135 = arith.addf %sqrt3A_132, %add3A_134 : vector<1x4096xf32>
    %div3A = vector.broadcast %add3A_120 : vector<1x4096xf32> to vector<3x4096xf32>
    %div3A_136 = arith.divf %mul3A_56, %div3A : vector<3x4096xf32>
    %div3A_137 = vector.broadcast %add3A_135 : vector<1x4096xf32> to vector<3x4096xf32>
    %div3A_138 = arith.divf %mul3A_106, %div3A_137 : vector<3x4096xf32>
    %slice3A_139 = vector.extract_strided_slice %get3A_4 {offsets = [0, 0, 0], sizes = [1, 128, 4096], strides = [1, 1, 1]} : vector<3x128x4096xf32> to vector<1x128x4096xf32>
    %squeeze3A_140 = vector.shape_cast %slice3A_139 : vector<1x128x4096xf32> to vector<128x4096xf32>
    %slice3A_141 = vector.extract_strided_slice %div3A_136 {offsets = [0, 0], sizes = [1, 4096], strides = [1, 1]} : vector<3x4096xf32> to vector<1x4096xf32>
    %mul3A_142 = vector.broadcast %slice3A_141 : vector<1x4096xf32> to vector<128x4096xf32>
    %mul3A_143 = arith.mulf %squeeze3A_140, %mul3A_142 : vector<128x4096xf32>
    %slice3A_144 = vector.extract_strided_slice %get3A_4 {offsets = [1, 0, 0], sizes = [1, 128, 4096], strides = [1, 1, 1]} : vector<3x128x4096xf32> to vector<1x128x4096xf32>
    %squeeze3A_145 = vector.shape_cast %slice3A_144 : vector<1x128x4096xf32> to vector<128x4096xf32>
    %slice3A_146 = vector.extract_strided_slice %div3A_136 {offsets = [1, 0], sizes = [1, 4096], strides = [1, 1]} : vector<3x4096xf32> to vector<1x4096xf32>
    %mul3A_147 = vector.broadcast %slice3A_146 : vector<1x4096xf32> to vector<128x4096xf32>
    %mul3A_148 = arith.mulf %squeeze3A_145, %mul3A_147 : vector<128x4096xf32>
    %add3A_149 = arith.addf %mul3A_143, %mul3A_148 : vector<128x4096xf32>
    %slice3A_150 = vector.extract_strided_slice %get3A_4 {offsets = [2, 0, 0], sizes = [1, 128, 4096], strides = [1, 1, 1]} : vector<3x128x4096xf32> to vector<1x128x4096xf32>
    %squeeze3A_151 = vector.shape_cast %slice3A_150 : vector<1x128x4096xf32> to vector<128x4096xf32>
    %slice3A_152 = vector.extract_strided_slice %div3A_136 {offsets = [2, 0], sizes = [1, 4096], strides = [1, 1]} : vector<3x4096xf32> to vector<1x4096xf32>
    %mul3A_153 = vector.broadcast %slice3A_152 : vector<1x4096xf32> to vector<128x4096xf32>
    %mul3A_154 = arith.mulf %squeeze3A_151, %mul3A_153 : vector<128x4096xf32>
    %add3A_155 = arith.addf %add3A_149, %mul3A_154 : vector<128x4096xf32>
    %slice3A_156 = vector.extract_strided_slice %get3A_10 {offsets = [0, 0, 0], sizes = [1, 128, 4096], strides = [1, 1, 1]} : vector<3x128x4096xf32> to vector<1x128x4096xf32>
    %squeeze3A_157 = vector.shape_cast %slice3A_156 : vector<1x128x4096xf32> to vector<128x4096xf32>
    %slice3A_158 = vector.extract_strided_slice %div3A_138 {offsets = [0, 0], sizes = [1, 4096], strides = [1, 1]} : vector<3x4096xf32> to vector<1x4096xf32>
    %mul3A_159 = vector.broadcast %slice3A_158 : vector<1x4096xf32> to vector<128x4096xf32>
    %mul3A_160 = arith.mulf %squeeze3A_157, %mul3A_159 : vector<128x4096xf32>
    %slice3A_161 = vector.extract_strided_slice %get3A_10 {offsets = [1, 0, 0], sizes = [1, 128, 4096], strides = [1, 1, 1]} : vector<3x128x4096xf32> to vector<1x128x4096xf32>
    %squeeze3A_162 = vector.shape_cast %slice3A_161 : vector<1x128x4096xf32> to vector<128x4096xf32>
    %slice3A_163 = vector.extract_strided_slice %div3A_138 {offsets = [1, 0], sizes = [1, 4096], strides = [1, 1]} : vector<3x4096xf32> to vector<1x4096xf32>
    %mul3A_164 = vector.broadcast %slice3A_163 : vector<1x4096xf32> to vector<128x4096xf32>
    %mul3A_165 = arith.mulf %squeeze3A_162, %mul3A_164 : vector<128x4096xf32>
    %add3A_166 = arith.addf %mul3A_160, %mul3A_165 : vector<128x4096xf32>
    %slice3A_167 = vector.extract_strided_slice %get3A_10 {offsets = [2, 0, 0], sizes = [1, 128, 4096], strides = [1, 1, 1]} : vector<3x128x4096xf32> to vector<1x128x4096xf32>
    %squeeze3A_168 = vector.shape_cast %slice3A_167 : vector<1x128x4096xf32> to vector<128x4096xf32>
    %slice3A_169 = vector.extract_strided_slice %div3A_138 {offsets = [2, 0], sizes = [1, 4096], strides = [1, 1]} : vector<3x4096xf32> to vector<1x4096xf32>
    %mul3A_170 = vector.broadcast %slice3A_169 : vector<1x4096xf32> to vector<128x4096xf32>
    %mul3A_171 = arith.mulf %squeeze3A_168, %mul3A_170 : vector<128x4096xf32>
    %add3A_172 = arith.addf %add3A_166, %mul3A_171 : vector<128x4096xf32>
    %mul3A_173 = arith.mulf %add3A_155, %add3A_172 : vector<128x4096xf32>
    %slice3A_174 = vector.extract_strided_slice %mul3A_173 {offsets = [0, 0], sizes = [8, 4096], strides = [1, 1]} : vector<128x4096xf32> to vector<8x4096xf32>
    %slice3A_175 = vector.extract_strided_slice %mul3A_173 {offsets = [8, 0], sizes = [8, 4096], strides = [1, 1]} : vector<128x4096xf32> to vector<8x4096xf32>
    %add3A_176 = arith.addf %slice3A_174, %slice3A_175 : vector<8x4096xf32>
    %slice3A_177 = vector.extract_strided_slice %mul3A_173 {offsets = [16, 0], sizes = [8, 4096], strides = [1, 1]} : vector<128x4096xf32> to vector<8x4096xf32>
    %add3A_178 = arith.addf %add3A_176, %slice3A_177 : vector<8x4096xf32>
    %slice3A_179 = vector.extract_strided_slice %mul3A_173 {offsets = [24, 0], sizes = [8, 4096], strides = [1, 1]} : vector<128x4096xf32> to vector<8x4096xf32>
    %add3A_180 = arith.addf %add3A_178, %slice3A_179 : vector<8x4096xf32>
    %slice3A_181 = vector.extract_strided_slice %mul3A_173 {offsets = [32, 0], sizes = [8, 4096], strides = [1, 1]} : vector<128x4096xf32> to vector<8x4096xf32>
    %add3A_182 = arith.addf %add3A_180, %slice3A_181 : vector<8x4096xf32>
    %slice3A_183 = vector.extract_strided_slice %mul3A_173 {offsets = [40, 0], sizes = [8, 4096], strides = [1, 1]} : vector<128x4096xf32> to vector<8x4096xf32>
    %add3A_184 = arith.addf %add3A_182, %slice3A_183 : vector<8x4096xf32>
    %slice3A_185 = vector.extract_strided_slice %mul3A_173 {offsets = [48, 0], sizes = [8, 4096], strides = [1, 1]} : vector<128x4096xf32> to vector<8x4096xf32>
    %add3A_186 = arith.addf %add3A_184, %slice3A_185 : vector<8x4096xf32>
    %slice3A_187 = vector.extract_strided_slice %mul3A_173 {offsets = [56, 0], sizes = [8, 4096], strides = [1, 1]} : vector<128x4096xf32> to vector<8x4096xf32>
    %add3A_188 = arith.addf %add3A_186, %slice3A_187 : vector<8x4096xf32>
    %slice3A_189 = vector.extract_strided_slice %mul3A_173 {offsets = [64, 0], sizes = [8, 4096], strides = [1, 1]} : vector<128x4096xf32> to vector<8x4096xf32>
    %add3A_190 = arith.addf %add3A_188, %slice3A_189 : vector<8x4096xf32>
    %slice3A_191 = vector.extract_strided_slice %mul3A_173 {offsets = [72, 0], sizes = [8, 4096], strides = [1, 1]} : vector<128x4096xf32> to vector<8x4096xf32>
    %add3A_192 = arith.addf %add3A_190, %slice3A_191 : vector<8x4096xf32>
    %slice3A_193 = vector.extract_strided_slice %mul3A_173 {offsets = [80, 0], sizes = [8, 4096], strides = [1, 1]} : vector<128x4096xf32> to vector<8x4096xf32>
    %add3A_194 = arith.addf %add3A_192, %slice3A_193 : vector<8x4096xf32>
    %slice3A_195 = vector.extract_strided_slice %mul3A_173 {offsets = [88, 0], sizes = [8, 4096], strides = [1, 1]} : vector<128x4096xf32> to vector<8x4096xf32>
    %add3A_196 = arith.addf %add3A_194, %slice3A_195 : vector<8x4096xf32>
    %slice3A_197 = vector.extract_strided_slice %mul3A_173 {offsets = [96, 0], sizes = [8, 4096], strides = [1, 1]} : vector<128x4096xf32> to vector<8x4096xf32>
    %add3A_198 = arith.addf %add3A_196, %slice3A_197 : vector<8x4096xf32>
    %slice3A_199 = vector.extract_strided_slice %mul3A_173 {offsets = [104, 0], sizes = [8, 4096], strides = [1, 1]} : vector<128x4096xf32> to vector<8x4096xf32>
    %add3A_200 = arith.addf %add3A_198, %slice3A_199 : vector<8x4096xf32>
    %slice3A_201 = vector.extract_strided_slice %mul3A_173 {offsets = [112, 0], sizes = [8, 4096], strides = [1, 1]} : vector<128x4096xf32> to vector<8x4096xf32>
    %add3A_202 = arith.addf %add3A_200, %slice3A_201 : vector<8x4096xf32>
    %slice3A_203 = vector.extract_strided_slice %mul3A_173 {offsets = [120, 0], sizes = [8, 4096], strides = [1, 1]} : vector<128x4096xf32> to vector<8x4096xf32>
    %add3A_204 = arith.addf %add3A_202, %slice3A_203 : vector<8x4096xf32>
    %slice3A_205 = vector.extract_strided_slice %add3A_204 {offsets = [0, 0], sizes = [1, 4096], strides = [1, 1]} : vector<8x4096xf32> to vector<1x4096xf32>
    %slice3A_206 = vector.extract_strided_slice %add3A_204 {offsets = [1, 0], sizes = [1, 4096], strides = [1, 1]} : vector<8x4096xf32> to vector<1x4096xf32>
    %slice3A_207 = vector.extract_strided_slice %add3A_204 {offsets = [2, 0], sizes = [1, 4096], strides = [1, 1]} : vector<8x4096xf32> to vector<1x4096xf32>
    %slice3A_208 = vector.extract_strided_slice %add3A_204 {offsets = [3, 0], sizes = [1, 4096], strides = [1, 1]} : vector<8x4096xf32> to vector<1x4096xf32>
    %slice3A_209 = vector.extract_strided_slice %add3A_204 {offsets = [4, 0], sizes = [1, 4096], strides = [1, 1]} : vector<8x4096xf32> to vector<1x4096xf32>
    %slice3A_210 = vector.extract_strided_slice %add3A_204 {offsets = [5, 0], sizes = [1, 4096], strides = [1, 1]} : vector<8x4096xf32> to vector<1x4096xf32>
    %slice3A_211 = vector.extract_strided_slice %add3A_204 {offsets = [6, 0], sizes = [1, 4096], strides = [1, 1]} : vector<8x4096xf32> to vector<1x4096xf32>
    %slice3A_212 = vector.extract_strided_slice %add3A_204 {offsets = [7, 0], sizes = [1, 4096], strides = [1, 1]} : vector<8x4096xf32> to vector<1x4096xf32>
    %add3A_213 = arith.addf %slice3A_205, %slice3A_209 : vector<1x4096xf32>
    %add3A_214 = arith.addf %slice3A_206, %slice3A_210 : vector<1x4096xf32>
    %add3A_215 = arith.addf %slice3A_207, %slice3A_211 : vector<1x4096xf32>
    %add3A_216 = arith.addf %slice3A_208, %slice3A_212 : vector<1x4096xf32>
    %add3A_217 = arith.addf %add3A_213, %add3A_215 : vector<1x4096xf32>
    %add3A_218 = arith.addf %add3A_214, %add3A_216 : vector<1x4096xf32>
    %add3A_219 = arith.addf %add3A_217, %add3A_218 : vector<1x4096xf32>
    %squeeze3A_220 = vector.shape_cast %add3A_219 : vector<1x4096xf32> to vector<4096xf32>
    %swap3A = arith.constant 0 : index
    %swap3A_221 = arith.constant 0 : index
    %swap3A_222 = arith.constant 0 : index
    %swap3A_223 = vector.load %arg4[%swap3A, %swap3A_221, %swap3A_222] : memref<1x1x4096xf32, #tpu.memory_space<vmem>>, vector<1x1x4096xf32>
    %swap3A_224 = vector.shape_cast %swap3A_223 : vector<1x1x4096xf32> to vector<4096xf32>
    %swap3A_225 = vector.shape_cast %squeeze3A_220 : vector<4096xf32> to vector<1x1x4096xf32>
    tpu.vector_store %arg4[%swap3A, %swap3A_221, %swap3A_222], %swap3A_225 {strides = array<i32>} : memref<1x1x4096xf32, #tpu.memory_space<vmem>>, vector<1x1x4096xf32>,
    return
  }
  func.func @transform_0(%arg0: i32, %arg1: i32) -> (i32, i32, i32, i32) {
    %c0_i32 = arith.constant 0 : i32
    %c0_i32_0 = arith.constant 0 : i32
    %c0_i32_1 = arith.constant 0 : i32
    return %arg0, %c0_i32, %c0_i32_0, %arg1 : i32, i32, i32, i32
  }
  func.func @transform_1(%arg0: i32, %arg1: i32) -> (i32, i32, i32, i32) {
    %c0_i32 = arith.constant 0 : i32
    %c0_i32_0 = arith.constant 0 : i32
    %c0_i32_1 = arith.constant 0 : i32
    return %arg0, %c0_i32, %c0_i32_0, %arg1 : i32, i32, i32, i32
  }
  func.func @transform_2(%arg0: i32, %arg1: i32) -> (i32, i32, i32) {
    %c0_i32 = arith.constant 0 : i32
    %c0_i32_0 = arith.constant 0 : i32
    return %arg0, %c0_i32, %arg1 : i32, i32, i32
  }
}

</mosaic_0001>

<sc_bundles>
// kernel: kernel.4.cloned.1.call-start
scs
__scs_entry_jumppad:
0x0: {  	(pc) =	sbr.rel $0x88, $3  }
0x1: {  	(tag) =	ssettag $0x0;
	lr =	simm.s32 $0x1  }
0x2: {  	[smem:$0x3F9F] =	sst lr;
	_ =	strace $0xD0000000  }
0x3: {  	_ = 	snop  }
0x4: {  	_ = 	snop  }
0x5: {  	_ = 	snop  }
0x6: {  	_ = 	snop  }
0x7: {  	_ = 	snop  }
__scs_overlays_trampoline_lowered:
0x8: {  	[smem:$0x3FAE] =	sst s0  }
0x9: {  	[smem:$0x3FAF] =	sst s1  }
0xa: {  	[smem:$0x3FB0] =	sst s2  }
0xb: {  	[smem:$0x3FB1] =	sst s3  }
0xc: {  	[smem:$0x3FB2] =	sst s4  }
0xd: {  	[smem:$0x3FB3] =	sst s5  }
0xe: {  	[smem:$0x3FB4] =	sst s6  }
0xf: {  	[smem:$0x3FB5] =	sst s7  }
0x10: {  	[smem:$0x3FB6] =	sst s8  }
0x11: {  	[smem:$0x3FB7] =	sst s9;
	s0 =	simm.s32 @!p0 $0x0  }
0x12: {  	s1 =	sld [smem:$0x3F9D];
	s0 =	simm.s32 @p0 $0x1  }
0x13: {  	[smem:$0x3FB8] =	sst s0;
	s0 =	simm.s32 @!p1 $0x0  }
0x14: {  	s2 =	sld [smem:$0x3F9C];
	s0 =	simm.s32 @p1 $0x1  }
0x15: {  	[smem:$0x3FB9] =	sst s0;
	s0 =	simm.s32 @!p2 $0x0  }
0x16: {  	s3 =	sld [smem:$0x3FDB];
	s0 =	simm.s32 @p2 $0x1  }
0x17: {  	s4 =	simm.s32 $0x1BF5;
	[smem:$0x3FBB] =	sst s0  }
0x18: {  	s0 =	sld [smem:$0x3F9E];
	_ =	swait.ge [sflag:s4], $0x0  }
0x19: {  	s7 =	sld [smem:$0x3F9F]  }
0x1a: {  	s8 =	sadd.s32 $0xFFFFE003, lr  }
0x1b: {  	s9 =	sadd.s32 $0xFFFFFEF7, lr;
	s5 =	simm.s32 $0xFFFFFFFF;
	p2 =	slt.u32 s8, $0xFFFFF086  }
0x1c: {  	p1 =	slt.u32 s9, $0xF7A;
	s5 =	simm.s32 @!p2 $0x0  }
0x1d: {  	s5 =	simm.s32 @p1 $0x1;
	p0 =	seq.s32 s7, s2  }
0x1e: {  	s7 =	smul.u32 @!p0 $0xF7A, s2;
	p2 =	seq.s32 @!p0 s5, $0x0  }
0x1f: {  	s9 =	smul.u32 $0xF7A, s1;
	s8 =	simm.s32 @!p0 $0x1BF5;
	p2 =	por !p2, p0  }
0x20: {  	[sflag:s8] =	ssyncset.s32 @!p0 $0xFFFFF086;
	s6 =	sadd.s32 @!p0 s3, s7;
	s7 =	simm.s32 @!p0 $0x108  }
0x21: {  	s3 =	sadd.s32 s3, s9;
	s6 =	sadd.s32 @!p0 $0x88, s6;
	s7 =	simm.s32 @p2 $0x1082  }
0x22: {  	[simem:s7], [sflag:s8] =	dma.local @!p0 [hbm:s6], $0xF7A  }
0x23: {  	s9 =	sor.u32 $0xD0000000, s2;
	s6 =	simm.s32 $0x108;
	_ =	swait.ge @!p0 [sflag:s8], $0x0  }
0x24: {  	s3 =	sadd.s32 $0x88, s3;
	s6 =	simm.s32 @!p1 $0x1082;
	[sflag:s4] =	ssyncset.s32 $0xFFFFF086  }
0x25: {  	[simem:s6], [sflag:s4] =	dma.local [hbm:s3], $0xF7A  }
0x26: {  	[smem:$0x3F9F] =	sst s1;
	(tag) =	ssettag s2;
	_ =	strace s9  }
0x27: {  	s1 =	sld [smem:$0x3FAF]  }
0x28: {  	s2 =	sld [smem:$0x3FB0]  }
0x29: {  	s4 =	sld [smem:$0x3FB2]  }
0x2a: {  	p0 =	seq.s32 s5, $0x0;
	s5 =	sld [smem:$0x3FB3]  }
0x2b: {  	s6 =	sld [smem:$0x3FB4]  }
0x2c: {  	s7 =	sld [smem:$0x3FB5]  }
0x2d: {  	s3 =	simm.s32 $0x108;
	s8 =	sld [smem:$0x3FB6]  }
0x2e: {  	s3 =	simm.s32 @!p0 $0x1082;
	s9 =	sld [smem:$0x3FB7]  }
0x2f: {  	lr =	sadd.s32 s0, s3;
	s0 =	sld [smem:$0x3FAE]  }
0x30: {  	s3 =	sld [smem:$0x3FB1]  }
0x31: {  	[smem:$0x3FBA] =	sst s10  }
0x32: {  	s10 =	sld [smem:$0x3FB8];
	_ =	sdelay $0x3  }
0x33: {  	p0 =	seq.s32 s10, $0x1;
	s10 =	sld [smem:$0x3FBA];
	_ =	sdelay $0x3  }
0x34: {  	[smem:$0x3FBA] =	sst s10  }
0x35: {  	s10 =	sld [smem:$0x3FB9];
	_ =	sdelay $0x3  }
0x36: {  	p1 =	seq.s32 s10, $0x1;
	s10 =	sld [smem:$0x3FBA];
	_ =	sdelay $0x3  }
0x37: {  	[smem:$0x3FBA] =	sst s10  }
0x38: {  	s10 =	sld [smem:$0x3FBB]  }
0x39: {  	_ = 	snop;
	(pc) =	sbr.ind lr, $3  }
0x3a: {  	_ = 	snop  }
0x3b: {  	_ = 	snop  }
0x3c: {  	p2 =	seq.s32 s10, $0x1;
	s10 =	sld [smem:$0x3FBA]  }
0x3d: {  	_ =	shalt  }
0x3e: {  	_ =	shalt  }
0x3f: {  	_ =	shalt  }
0x40: {  	_ =	shalt  }
0x41: {  	_ =	shalt  }
0x42: {  	_ =	shalt  }
0x43: {  	_ =	shalt  }
0x44: {  	_ =	shalt  }
0x45: {  	_ =	shalt  }
0x46: {  	_ =	shalt  }
0x47: {  	_ =	shalt  }
0x48: {  	_ =	shalt  }
0x49: {  	_ =	shalt  }
0x4a: {  	_ =	shalt  }
0x4b: {  	_ =	shalt  }
0x4c: {  	_ =	shalt  }
0x4d: {  	_ =	shalt  }
0x4e: {  	_ =	shalt  }
0x4f: {  	_ =	shalt  }
0x50: {  	_ =	shalt  }
0x51: {  	_ =	shalt  }
0x52: {  	_ =	shalt  }
0x53: {  	_ =	shalt  }
0x54: {  	_ =	shalt  }
0x55: {  	_ =	shalt  }
0x56: {  	_ =	shalt  }
0x57: {  	_ =	shalt  }
0x58: {  	_ =	shalt  }
0x59: {  	_ =	shalt  }
0x5a: {  	_ =	shalt  }
0x5b: {  	_ =	shalt  }
0x5c: {  	_ =	shalt  }
0x5d: {  	_ =	shalt  }
0x5e: {  	_ =	shalt  }
0x5f: {  	_ =	shalt  }
0x60: {  	_ =	shalt  }
0x61: {  	_ =	shalt  }
0x62: {  	_ =	shalt  }
0x63: {  	_ =	shalt  }
0x64: {  	_ =	shalt  }
0x65: {  	_ =	shalt  }
0x66: {  	_ =	shalt  }
0x67: {  	_ =	shalt  }
0x68: {  	_ =	shalt  }
0x69: {  	_ =	shalt  }
0x6a: {  	_ =	shalt  }
0x6b: {  	_ =	shalt  }
0x6c: {  	_ =	shalt  }
0x6d: {  	_ =	shalt  }
0x6e: {  	_ =	shalt  }
0x6f: {  	_ =	shalt  }
0x70: {  	_ =	shalt  }
0x71: {  	_ =	shalt  }
0x72: {  	_ =	shalt  }
0x73: {  	_ =	shalt  }
0x74: {  	_ =	shalt  }
0x75: {  	_ =	shalt  }
0x76: {  	_ =	shalt  }
0x77: {  	_ =	shalt  }
0x78: {  	_ =	shalt  }
0x79: {  	_ =	shalt  }
0x7a: {  	_ =	shalt  }
0x7b: {  	_ =	shalt  }
0x7c: {  	_ =	shalt  }
0x7d: {  	_ =	shalt  }
0x7e: {  	_ =	shalt  }
0x7f: {  	_ =	shalt  }
0x80: {  	_ =	shalt  }
0x81: {  	_ =	shalt  }
0x82: {  	_ =	shalt  }
0x83: {  	_ =	shalt  }
0x84: {  	_ =	shalt  }
0x85: {  	_ =	shalt  }
0x86: {  	_ =	shalt  }
0x87: {  	_ =	shalt  }
.Lfunc_end0:
.L_simem_size_0:
called_computation_lowered:
.L_overlay_start_0:
0x88: {  	s2 =	sld [smem:$0x3FD9]  }
0x89: {  	s3 =	sld [smem:$0x3FFE];
	_ =	sdelay $0x1  }
0x8a: {  	s1 =	srdreg.scid  }
0x8b: {  	s0 =	sand.u32 $0x1, s1  }
0x8c: {  	s14 =	sshll.u32 s0, $0xA;
	s2 =	sadd.s32 s3, s2  }
0x8d: {  	s2 =	sadd.s32 s2, s14  }
0x8e: {  	[smem:$0x3FC6] =	sst s2  }
0x8f: {  	_ = 	snop  }
0x90: {  	s2 =	sld [smem:$0x3FD0];
	_ =	sdelay $0x1  }
0x91: {  	s15 =	sld [smem:$0x3FC9]  }
0x92: {  	s5 =	simm.s32 $0xA;
	s6 =	simm.s32 $0x10;
	s4 =	sld [smem:$0x3FC8]  }
0x93: {  	[smem:s6], [sflag:s5] =	dma.local [hbm:s2], $0x1  }
0x94: {  	_ =	swait.eq [sflag:s5], $0x1  }
0x95: {  	[sflag:s5] =	ssyncset.done $0x0  }
0x96: {  	s16 =	sld [smem:$0x10];
	[sflag:s5] =	ssyncadd.s32 $0xFFFFFFFF  }
0x97: {  	s17 =	sld [smem:$0x11];
	(tm) =	ssettm $0x1  }
0x98: {  	s18 =	sld [smem:$0x3FFB];
	_ =	sdelay $0x3  }
0x99: {  	_ =	strace s18  }
0x9a: {  	s6 =	sld [smem:$0x3FFC];
	_ =	sdelay $0x3  }
0x9b: {  	_ =	strace s6  }
0x9c: {  	s6 =	sld [smem:$0x3FFD];
	_ =	sdelay $0x3  }
0x9d: {  	_ =	strace s6  }
0x9e: {  	_ =	strace $0x8FFFFFFF  }
0x9f: {  	s19 =	sld [smem:$0x3FDB];
	_ =	sdelay $0x1  }
0xa0: {  	s7 =	simm.s32 $_scs_section_size  }
0xa1: {  	s8 =	simm.s32 $_size__tile_overlayer_lowered;
	s9 =	simm.s32 $_tile_overlayer_lowered  }
0xa2: {  	s22 =	simm.s32 $0x1BFF;
	s21 =	sshll.u32 s9, $0x1;
	s6 =	sadd.s32 s7, s19  }
0xa3: {  	s10 =	simm.s32 $0x0;
	s20 =	sshll.u32 s8, $0x1;
	s8 =	sadd.s32 s21, s6  }
0xa4: {  	[timem:s10], [sflag:s22] =	dma.local [hbm:s8], s20  }
0xa5: {  	_ =	swait.ge [sflag:s22], s20  }
0xa6: {  	s7 =	ssub.s32 $0x0, s20;
	[sflag:s22] =	ssyncset.done $0x0  }
0xa7: {  	[sflag:s22] =	ssyncadd.s32 s7;
	_ =	sdelay $0x1  }
0xa8: {  	s23 =	simm.s32 $0x1B8B  }
0xa9: {  	_ =	swait.ge [sflag:s23], $0x1  }
0xaa: {  	[sflag:s23] =	ssyncset.done $0x0  }
0xab: {  	s25 =	simm.s32 $0x1B8E;
	s24 =	sld [smem:$0x3FFE];
	[sflag:s23] =	ssyncadd.s32 $0xFFFFFFFF  }
0xac: {  	s26 =	simm.s32 $execute0_lowered;
	[smem:$0x3FD2] =	sst s25  }
0xad: {  	s8 =	sshll.u32 s26, $0x1;
	_ =	strace $0x80000046;
	[dreg:$0x1] =	wrdreg $0xFFFFFFFF  }
0xae: {  	s28 =	simm.s32 $_size_execute0_lowered;
	s6 =	sadd.s32 s6, s8;
	[dreg:$0x0] =	wrdreg $0x0  }
0xaf: {  	s8 =	sshll.u32 s28, $0x1;
	[dreg:$0x2] =	wrdreg s6  }
0xb0: {  	[dreg:$0x3] =	wrdreg s8  }
0xb1: {  	[dreg:$0x4] =	wrdreg $0xC0  }
0xb2: {  	_ =	task [dreg:s10], $0x5FFFF  }
0xb3: {  	[dreg:$0x1] =	wrdreg $0xFFFFFFFF  }
0xb4: {  	[dreg:$0x0] =	wrdreg $0x60  }
0xb5: {  	[dreg:$0x2] =	wrdreg s15  }
0xb6: {  	[dreg:$0x3] =	wrdreg s4  }
0xb7: {  	[dreg:$0x4] =	wrdreg s24  }
0xb8: {  	[dreg:$0x5] =	wrdreg s16  }
0xb9: {  	[dreg:$0x6] =	wrdreg s17  }
0xba: {  	[dreg:$0x7] =	wrdreg $0x9  }
0xbb: {  	_ =	task.clear_ibuf [dreg:s10], $0x8FFFF;
	_ =	strace $0x90000046  }
0xbc: {  	s29 =	simm.s32 $0x9;
	_ =	strace $0x80000048  }
0xbd: {  	_ =	swait.ge [sflag:s29], $0x1  }
0xbe: {  	[sflag:s29] =	ssyncadd.s32 $0xFFFFFFFF  }
0xbf: {  	_ =	strace $0x90000048  }
0xc0: {  	_ =	sfence  }
0xc1: {  	s30 =	sld [smem:$0x0];
	_ =	sdelay $0x2  }
0xc2: {  	s31 =	sshll.u32 s1, $0xD;
	s1 =	sshrl.u32 s1, $0x2  }
0xc3: {  	s3 =	sand.u32 $0x4000, s31;
	s1 =	sadd.s32 s1, s30  }
0xc4: {  	s0 =	sor.u32 s3, s0;
	s1 =	sshll.u32 s1, $0x11  }
0xc5: {  	s0 =	sor.u32 s1, s0  }
0xc6: {  	s0 =	sadd.s32 $0x8F2B, s0  }
0xc7: {  	[sflag:s0] =	ssyncadd.remote.s32 $0x1  }
0xc8: {  	_ =	sfence.sel $0xFFFF  }
0xc9: {  	[dreg:$0x0] =	wrdreg $0xFFFFFFFF;
	(pc) =	sbr.abs _section_cstart, $3  }
0xca: {  	[dreg:$0x1] =	wrdreg $0xFFFFFFFF  }
0xcb: {  	_ =	task.clear_ibuf [dreg:s10], $0x2FFFF;
	_ =	strace $0x9FFFFFFF  }
0xcc: {  	(tm) =	ssettm $0x7FFFFFFF  }
0xcd: {  	_ =	shalt  }
tec
execute0_lowered:
.L_overlay_start_1:
0x0: {  	(tag) =	ssettag $0x1  }
0x1: {  	s1 =	rddreg [dreg:$0x0]  }
0x2: {  	s2 =	rddreg [dreg:$0x1]  }
0x3: {  	s0 =	rddreg [dreg:$0x2]  }
0x4: {  	s3 =	rddreg [dreg:$0x3]  }
0x5: {  	s5 =	rddreg [dreg:$0x4];
	s6 =	simm.s32 $0x0  }
0x6: {  	s4 =	srdreg.scid;
	s8 =	stileid.u32;
	s16 =	simm.s32 $0x80  }
0x7: {  	s18 =	simm.s32 $0x4;
	s19 =	simm.s32 $0x400;
	s28 =	simm.s32 $0x2  }
0x8: {  	s29 =	simm.s32 $0x3;
	s30 =	simm.s32 $0x0;
	[smem:$0x7FF] =	sst s6  }
0x9: {  	s4 =	sand.u32 $0x1, s4;
	s20 =	sshll.u32 s8, $0x1;
	s8 =	sshll.u32 s8, $0x2  }
0xa: {  	_ =	strace $0x80000047;
	s7 =	ssub.s32 $0x2, s4;
	s4 =	sor.u32 s4, s20  }
0xb: {  	s22 =	sand.u32 $0x30, s8;
	s20 =	simm.s32 $0x1000;
	s21 =	sshrl.u32 s7, $0x1  }
0xc: {  	s9 =	smul.u32 $0x18000, s4;
	s0 =	sadd.s32 s0, s22;
	s22 =	simm.s32 $0x9000  }
0xd: {  	s6 =	ssub.s32 s7, s21;
	s7 =	smul.u32 $0x30, s4;
	[dreg:$0x6] =	wrdreg s0  }
0xe: {  	s21 =	simm.s32 $0x5000;
	s23 =	sor.u32 $0x10, s9;
	s24 =	sor.u32 $0x20, s9  }
.Ltmp0:
0xf: {  	s25 =	sadd.s32 s1, s9;
	s12 =	sadd.s32 s2, s9;
	(pc) =	sbr.rel .LBB2_1-.Ltmp0, $4  }
0x10: {  	s15 =	smax.u32 s6, $0x1;
	[dreg:$0x7] =	wrdreg s25;
	s26 =	sadd.s32 s1, s23  }
0x11: {  	s31 =	sadd.s32 s1, s24;
	s13 =	sadd.s32 s2, s23;
	s14 =	sadd.s32 s2, s24  }
0x12: {  	s23 =	simm.s32 $0x1;
	s24 =	simm.s32 $0x11000;
	[dreg:$0x8] =	wrdreg s26  }
0x13: {  	s25 =	simm.s32 $0xD000;
	[dreg:$0x9] =	wrdreg s31;
	s26 =	simm.s32 $0x12000  }
.LBB2_23:
0x14: {  	s30 =	sadd.s32 $0x1, s30  }
0x15: {  	_ =	swait.ge [sflag:s28], $0x1000;
	p0 =	sne.s32 s30, s15  }
.Ltmp1:
0x16: {  	[sflag:s28] =	ssyncset.done $0x0;
	(pc) =	sbr.rel @!p0 .LBB2_24-.Ltmp1, $4  }
0x17: {  	[sflag:s28] =	ssyncadd.s32 $0xFFFFF000  }
0x18: {  	_ =	swait.ge [sflag:s29], $0x1000  }
0x19: {  	[sflag:s29] =	ssyncset.done $0x0  }
0x1a: {  	[sflag:s29] =	ssyncadd.s32 $0xFFFFF000  }
.LBB2_1:
0x1b: {  	s0 =	simm.s32 $0x0;
	s4 =	rddreg [dreg:$0x6];
	s6 =	simm.s32 $0x200  }
0x1c: {  	[tilespmem:s0], [sflag:$0x4] =	stream.strided.gather [hbm4b:s4+s16], $0x1000, s6, s16, $0x38;
	[tilespmem:$0x13000] =	vst v63  }
0x1d: {  	_ =	swait.ge [sflag:s18], $0x1000  }
0x1e: {  	[sflag:s18] =	ssyncset.done $0x0  }
0x1f: {  	s10 =	rddreg [dreg:$0x7];
	[sflag:s18] =	ssyncadd.s32 $0xFFFFF000  }
0x20: {  	[tilespmem:s20], [sflag:$0x1] =	stream.strided.gather [hbm4b:s10+s16], $0x4000, s19, s16, $0x38;
	[tilespmem:$0x13000] =	vst v63  }
0x21: {  	s11 =	rddreg [dreg:$0x8]  }
0x22: {  	[tilespmem:s21], [sflag:$0x1] =	stream.strided.gather [hbm4b:s11+s16], $0x4000, s19, s16, $0x38;
	[tilespmem:$0x13000] =	vst v63  }
0x23: {  	s31 =	simm.s32 $0x0;
	s17 =	rddreg [dreg:$0x9]  }
0x24: {  	[tilespmem:s22], [sflag:$0x1] =	stream.strided.gather [hbm4b:s17+s16], $0x4000, s19, s16, $0x38;
	[tilespmem:$0x13000] =	vst v63  }
.LBB2_2:
0x25: {  	_ =	swait.ge [sflag:s23], $0x4000  }
0x26: {  	p0 =	seq.s32 s31, $0x0;
	[sflag:s23] =	ssyncset.done $0x0  }
0x27: {  	s4 =	simm.s32 @!p0 $0x2;
	[sflag:s23] =	ssyncadd.s32 $0xFFFFC000  }
0x28: {  	s0 =	sshll.u32 s31, $0x2;
	_ =	swait.ge @!p0 [sflag:s4], $0x1000  }
0x29: {  	s6 =	simm.s32 $0x40;
	s8 =	simm.s32 $0x11040;
	[sflag:s4] =	ssyncset.done @!p0 $0x0  }
0x2a: {  	s0 =	sadd.s32 s7, s0;
	[sflag:s4] =	ssyncadd.s32 @!p0 $0xFFFFF000;
	s4 =	simm.s32 $0xFFFFFFF8  }
.LBB2_3:
0x2b: {  	v0 =	vld [tilespmem:s6+$0xFFFFFFC0];
	_ =	sdelay $0x7  }
0x2c: {  	v0 =	vld.idx.msk [tilespmem:v0+s20+$0x0], $0xffff;
	_ =	sdelay $0x4  }
0x2d: {  	[tilespmem:s8+$0xFFFFFFC0] =	vst v0  }
0x2e: {  	v0 =	vld [tilespmem:s6+$0xFFFFFFD0];
	_ =	sdelay $0x7  }
0x2f: {  	v0 =	vld.idx.msk [tilespmem:v0+s20+$0x0], $0xffff;
	_ =	sdelay $0x4  }
0x30: {  	[tilespmem:s8+$0xFFFFFFD0] =	vst v0  }
0x31: {  	v0 =	vld [tilespmem:s6+$0xFFFFFFE0];
	_ =	sdelay $0x7  }
0x32: {  	v0 =	vld.idx.msk [tilespmem:v0+s20+$0x0], $0xffff;
	_ =	sdelay $0x4  }
0x33: {  	[tilespmem:s8+$0xFFFFFFE0] =	vst v0  }
0x34: {  	v0 =	vld [tilespmem:s6+$0xFFFFFFF0];
	_ =	sdelay $0x7  }
0x35: {  	v0 =	vld.idx.msk [tilespmem:v0+s20+$0x0], $0xffff;
	_ =	sdelay $0x4  }
0x36: {  	[tilespmem:s8+$0xFFFFFFF0] =	vst v0  }
0x37: {  	v0 =	vld [tilespmem:s6+$0x0];
	_ =	sdelay $0x7  }
0x38: {  	v0 =	vld.idx.msk [tilespmem:v0+s20+$0x0], $0xffff;
	_ =	sdelay $0x4  }
0x39: {  	[tilespmem:s8+$0x0] =	vst v0  }
0x3a: {  	v0 =	vld [tilespmem:s6+$0x10];
	_ =	sdelay $0x7  }
0x3b: {  	v0 =	vld.idx.msk [tilespmem:v0+s20+$0x0], $0xffff;
	_ =	sdelay $0x4  }
0x3c: {  	[tilespmem:s8+$0x10] =	vst v0  }
0x3d: {  	v0 =	vld [tilespmem:s6+$0x20];
	_ =	sdelay $0x7  }
0x3e: {  	v0 =	vld.idx.msk [tilespmem:v0+s20+$0x0], $0xffff;
	_ =	sdelay $0x4  }
0x3f: {  	[tilespmem:s8+$0x20] =	vst v0  }
0x40: {  	v0 =	vld [tilespmem:s6+$0x30];
	_ =	sdelay $0x6  }
0x41: {  	s4 =	sadd.s32 $0x8, s4  }
0x42: {  	p1 =	slt.u32 s4, $0xF8;
	v0 =	vld.idx.msk [tilespmem:v0+s20+$0x0], $0xffff  }
.Ltmp2:
0x43: {  	_ = 	snop;
	(pc) =	sbr.rel @p1 .LBB2_3-.Ltmp2, $2  }
0x44: {  	_ =	sdelay $0x2  }
0x45: {  	s6 =	sadd.s32 $0x80, s6;
	[tilespmem:s8+$0x30] =	vst v0;
	s8 =	sadd.s32 $0x80, s8  }
0x46: {  	s4 =	sshll.u32 s31, $0x6  }
0x47: {  	s6 =	sshll.u32 s0, $0x9;
	s17 =	sand.u32 $0x40, s4  }
0x48: {  	s4 =	sand.u32 $0xFFFF000, s6;
	s11 =	sadd.s32 s3, s17  }
0x49: {  	s6 =	sadd.s32 s4, s11  }
0x4a: {  	[hbm4b:s6+s16] =	stream.strided.scatter [tilespmem:s24], [sflag:$0x2], $0x1000, s19, s16, $0x38;
	[tilespmem:$0x13000] =	vst v63  }
0x4b: {  	s8 =	sshll.u32 s0, $0xB;
	s6 =	sor.u32 $0x30, s17  }
0x4c: {  	s8 =	sand.u32 $0xFFFC000, s8;
	s9 =	sadd.s32 s1, s6  }
0x4d: {  	s8 =	sadd.s32 s8, s9  }
0x4e: {  	[tilespmem:s25], [sflag:$0x1] =	stream.strided.gather [hbm4b:s8+s16], $0x4000, s19, s16, $0x38;
	[tilespmem:$0x13000] =	vst v63  }
0x4f: {  	_ =	swait.ge [sflag:s23], $0x4000  }
0x50: {  	[sflag:s23] =	ssyncset.done $0x0  }
0x51: {  	s8 =	simm.s32 @!p0 $0x3;
	[sflag:s23] =	ssyncadd.s32 $0xFFFFC000  }
0x52: {  	_ =	swait.ge @!p0 [sflag:s8], $0x1000  }
0x53: {  	s10 =	simm.s32 $0x12040;
	[sflag:s8] =	ssyncset.done @!p0 $0x0  }
0x54: {  	s9 =	simm.s32 $0x40;
	[sflag:s8] =	ssyncadd.s32 @!p0 $0xFFFFF000;
	s8 =	simm.s32 $0xFFFFFFF8  }
.LBB2_5:
0x55: {  	v0 =	vld [tilespmem:s9+$0xFFFFFFC0];
	_ =	sdelay $0x7  }
0x56: {  	v0 =	vld.idx.msk [tilespmem:v0+s21+$0x0], $0xffff;
	_ =	sdelay $0x4  }
0x57: {  	[tilespmem:s10+$0xFFFFFFC0] =	vst v0  }
0x58: {  	v0 =	vld [tilespmem:s9+$0xFFFFFFD0];
	_ =	sdelay $0x7  }
0x59: {  	v0 =	vld.idx.msk [tilespmem:v0+s21+$0x0], $0xffff;
	_ =	sdelay $0x4  }
0x5a: {  	[tilespmem:s10+$0xFFFFFFD0] =	vst v0  }
0x5b: {  	v0 =	vld [tilespmem:s9+$0xFFFFFFE0];
	_ =	sdelay $0x7  }
0x5c: {  	v0 =	vld.idx.msk [tilespmem:v0+s21+$0x0], $0xffff;
	_ =	sdelay $0x4  }
0x5d: {  	[tilespmem:s10+$0xFFFFFFE0] =	vst v0  }
0x5e: {  	v0 =	vld [tilespmem:s9+$0xFFFFFFF0];
	_ =	sdelay $0x7  }
0x5f: {  	v0 =	vld.idx.msk [tilespmem:v0+s21+$0x0], $0xffff;
	_ =	sdelay $0x4  }
0x60: {  	[tilespmem:s10+$0xFFFFFFF0] =	vst v0  }
0x61: {  	v0 =	vld [tilespmem:s9+$0x0];
	_ =	sdelay $0x7  }
0x62: {  	v0 =	vld.idx.msk [tilespmem:v0+s21+$0x0], $0xffff;
	_ =	sdelay $0x4  }
0x63: {  	[tilespmem:s10+$0x0] =	vst v0  }
0x64: {  	v0 =	vld [tilespmem:s9+$0x10];
	_ =	sdelay $0x7  }
0x65: {  	v0 =	vld.idx.msk [tilespmem:v0+s21+$0x0], $0xffff;
	_ =	sdelay $0x4  }
0x66: {  	[tilespmem:s10+$0x10] =	vst v0  }
0x67: {  	v0 =	vld [tilespmem:s9+$0x20];
	_ =	sdelay $0x7  }
0x68: {  	v0 =	vld.idx.msk [tilespmem:v0+s21+$0x0], $0xffff;
	_ =	sdelay $0x4  }
0x69: {  	[tilespmem:s10+$0x20] =	vst v0  }
0x6a: {  	v0 =	vld [tilespmem:s9+$0x30];
	_ =	sdelay $0x6  }
0x6b: {  	s8 =	sadd.s32 $0x8, s8  }
0x6c: {  	p0 =	slt.u32 s8, $0xF8;
	v0 =	vld.idx.msk [tilespmem:v0+s21+$0x0], $0xffff  }
.Ltmp3:
0x6d: {  	_ = 	snop;
	(pc) =	sbr.rel @p0 .LBB2_5-.Ltmp3, $2  }
0x6e: {  	_ =	sdelay $0x2  }
0x6f: {  	s9 =	sadd.s32 $0x80, s9;
	[tilespmem:s10+$0x30] =	vst v0;
	s10 =	sadd.s32 $0x80, s10  }
0x70: {  	s8 =	sadd.s32 s17, s3  }
0x71: {  	s17 =	sadd.s32 s4, s8  }
0x72: {  	p0 =	seq.s32 s31, $0xB;
	s8 =	sadd.s32 $0x10, s17  }
0x73: {  	[hbm4b:s8+s16] =	stream.strided.scatter [tilespmem:s26], [sflag:$0x3], $0x1000, s19, s16, $0x38;
	[tilespmem:$0x13000] =	vst v63  }
0x74: {  	s8 =	sadd.s32 @!p0 $0x4, s0  }
0x75: {  	s9 =	sshll.u32 @!p0 s8, $0x4  }
0x76: {  	s8 =	sshll.u32 @!p0 s8, $0xB;
	s9 =	sand.u32 @!p0 $0x40, s9  }
0x77: {  	s10 =	simm.s32 @!p0 $0x400;
	s8 =	sand.u32 @!p0 $0xFFFC000, s8;
	s9 =	sadd.s32 @!p0 s1, s9  }
0x78: {  	s11 =	simm.s32 @!p0 $0x1000;
	s8 =	sadd.s32 @!p0 s8, s9;
	s9 =	simm.s32 @!p0 $0x80  }
0x79: {  	[tilespmem:s11], [sflag:$0x1] =	stream.strided.gather @!p0 [hbm4b:s8+s9], $0x4000, s10, s9, $0x38;
	[tilespmem:$0x13000] =	vst v63  }
0x7a: {  	_ =	swait.ge [sflag:s23], $0x4000  }
0x7b: {  	[sflag:s23] =	ssyncset.done $0x0  }
0x7c: {  	[sflag:s23] =	ssyncadd.s32 $0xFFFFC000  }
0x7d: {  	_ =	swait.ge [sflag:s28], $0x1000  }
0x7e: {  	s8 =	simm.s32 $0xFFFFFFF8;
	[sflag:s28] =	ssyncset.done $0x0  }
0x7f: {  	s9 =	simm.s32 $0x40;
	s10 =	simm.s32 $0x11040;
	[sflag:s28] =	ssyncadd.s32 $0xFFFFF000  }
.LBB2_7:
0x80: {  	v0 =	vld [tilespmem:s9+$0xFFFFFFC0];
	_ =	sdelay $0x7  }
0x81: {  	v0 =	vld.idx.msk [tilespmem:v0+s22+$0x0], $0xffff;
	_ =	sdelay $0x4  }
0x82: {  	[tilespmem:s10+$0xFFFFFFC0] =	vst v0  }
0x83: {  	v0 =	vld [tilespmem:s9+$0xFFFFFFD0];
	_ =	sdelay $0x7  }
0x84: {  	v0 =	vld.idx.msk [tilespmem:v0+s22+$0x0], $0xffff;
	_ =	sdelay $0x4  }
0x85: {  	[tilespmem:s10+$0xFFFFFFD0] =	vst v0  }
0x86: {  	v0 =	vld [tilespmem:s9+$0xFFFFFFE0];
	_ =	sdelay $0x7  }
0x87: {  	v0 =	vld.idx.msk [tilespmem:v0+s22+$0x0], $0xffff;
	_ =	sdelay $0x4  }
0x88: {  	[tilespmem:s10+$0xFFFFFFE0] =	vst v0  }
0x89: {  	v0 =	vld [tilespmem:s9+$0xFFFFFFF0];
	_ =	sdelay $0x7  }
0x8a: {  	v0 =	vld.idx.msk [tilespmem:v0+s22+$0x0], $0xffff;
	_ =	sdelay $0x4  }
0x8b: {  	[tilespmem:s10+$0xFFFFFFF0] =	vst v0  }
0x8c: {  	v0 =	vld [tilespmem:s9+$0x0];
	_ =	sdelay $0x7  }
0x8d: {  	v0 =	vld.idx.msk [tilespmem:v0+s22+$0x0], $0xffff;
	_ =	sdelay $0x4  }
0x8e: {  	[tilespmem:s10+$0x0] =	vst v0  }
0x8f: {  	v0 =	vld [tilespmem:s9+$0x10];
	_ =	sdelay $0x7  }
0x90: {  	v0 =	vld.idx.msk [tilespmem:v0+s22+$0x0], $0xffff;
	_ =	sdelay $0x4  }
0x91: {  	[tilespmem:s10+$0x10] =	vst v0  }
0x92: {  	v0 =	vld [tilespmem:s9+$0x20];
	_ =	sdelay $0x7  }
0x93: {  	v0 =	vld.idx.msk [tilespmem:v0+s22+$0x0], $0xffff;
	_ =	sdelay $0x4  }
0x94: {  	[tilespmem:s10+$0x20] =	vst v0  }
0x95: {  	v0 =	vld [tilespmem:s9+$0x30];
	_ =	sdelay $0x6  }
0x96: {  	s8 =	sadd.s32 $0x8, s8  }
0x97: {  	p1 =	slt.u32 s8, $0xF8;
	v0 =	vld.idx.msk [tilespmem:v0+s22+$0x0], $0xffff  }
.Ltmp4:
0x98: {  	_ = 	snop;
	(pc) =	sbr.rel @p1 .LBB2_7-.Ltmp4, $2  }
0x99: {  	_ =	sdelay $0x2  }
0x9a: {  	s9 =	sadd.s32 $0x80, s9;
	[tilespmem:s10+$0x30] =	vst v0;
	s10 =	sadd.s32 $0x80, s10  }
0x9b: {  	s8 =	sadd.s32 $0x20, s17  }
0x9c: {  	[hbm4b:s8+s16] =	stream.strided.scatter [tilespmem:s24], [sflag:$0x2], $0x1000, s19, s16, $0x38;
	[tilespmem:$0x13000] =	vst v63  }
0x9d: {  	s8 =	sadd.s32 @!p0 $0x5, s0  }
0x9e: {  	s9 =	sshll.u32 @!p0 s8, $0x4  }
0x9f: {  	s8 =	sshll.u32 @!p0 s8, $0xB;
	s9 =	sand.u32 @!p0 $0x50, s9  }
0xa0: {  	s10 =	simm.s32 @!p0 $0x400;
	s8 =	sand.u32 @!p0 $0xFFFC000, s8;
	s9 =	sadd.s32 @!p0 s1, s9  }
0xa1: {  	s11 =	simm.s32 @!p0 $0x5000;
	s8 =	sadd.s32 @!p0 s8, s9;
	s9 =	simm.s32 @!p0 $0x80  }
0xa2: {  	[tilespmem:s11], [sflag:$0x1] =	stream.strided.gather @!p0 [hbm4b:s8+s9], $0x4000, s10, s9, $0x38;
	[tilespmem:$0x13000] =	vst v63  }
0xa3: {  	_ =	swait.ge [sflag:s23], $0x4000  }
0xa4: {  	[sflag:s23] =	ssyncset.done $0x0  }
0xa5: {  	[sflag:s23] =	ssyncadd.s32 $0xFFFFC000  }
0xa6: {  	_ =	swait.ge [sflag:s29], $0x1000  }
0xa7: {  	s8 =	simm.s32 $0xFFFFFFF8;
	[sflag:s29] =	ssyncset.done $0x0  }
0xa8: {  	s9 =	simm.s32 $0x40;
	s10 =	simm.s32 $0x12040;
	[sflag:s29] =	ssyncadd.s32 $0xFFFFF000  }
.LBB2_9:
0xa9: {  	v0 =	vld [tilespmem:s9+$0xFFFFFFC0];
	_ =	sdelay $0x7  }
0xaa: {  	v0 =	vld.idx.msk [tilespmem:v0+s25+$0x0], $0xffff;
	_ =	sdelay $0x4  }
0xab: {  	[tilespmem:s10+$0xFFFFFFC0] =	vst v0  }
0xac: {  	v0 =	vld [tilespmem:s9+$0xFFFFFFD0];
	_ =	sdelay $0x7  }
0xad: {  	v0 =	vld.idx.msk [tilespmem:v0+s25+$0x0], $0xffff;
	_ =	sdelay $0x4  }
0xae: {  	[tilespmem:s10+$0xFFFFFFD0] =	vst v0  }
0xaf: {  	v0 =	vld [tilespmem:s9+$0xFFFFFFE0];
	_ =	sdelay $0x7  }
0xb0: {  	v0 =	vld.idx.msk [tilespmem:v0+s25+$0x0], $0xffff;
	_ =	sdelay $0x4  }
0xb1: {  	[tilespmem:s10+$0xFFFFFFE0] =	vst v0  }
0xb2: {  	v0 =	vld [tilespmem:s9+$0xFFFFFFF0];
	_ =	sdelay $0x7  }
0xb3: {  	v0 =	vld.idx.msk [tilespmem:v0+s25+$0x0], $0xffff;
	_ =	sdelay $0x4  }
0xb4: {  	[tilespmem:s10+$0xFFFFFFF0] =	vst v0  }
0xb5: {  	v0 =	vld [tilespmem:s9+$0x0];
	_ =	sdelay $0x7  }
0xb6: {  	v0 =	vld.idx.msk [tilespmem:v0+s25+$0x0], $0xffff;
	_ =	sdelay $0x4  }
0xb7: {  	[tilespmem:s10+$0x0] =	vst v0  }
0xb8: {  	v0 =	vld [tilespmem:s9+$0x10];
	_ =	sdelay $0x7  }
0xb9: {  	v0 =	vld.idx.msk [tilespmem:v0+s25+$0x0], $0xffff;
	_ =	sdelay $0x4  }
0xba: {  	[tilespmem:s10+$0x10] =	vst v0  }
0xbb: {  	v0 =	vld [tilespmem:s9+$0x20];
	_ =	sdelay $0x7  }
0xbc: {  	v0 =	vld.idx.msk [tilespmem:v0+s25+$0x0], $0xffff;
	_ =	sdelay $0x4  }
0xbd: {  	[tilespmem:s10+$0x20] =	vst v0  }
0xbe: {  	v0 =	vld [tilespmem:s9+$0x30];
	_ =	sdelay $0x6  }
0xbf: {  	s8 =	sadd.s32 $0x8, s8  }
0xc0: {  	p1 =	slt.u32 s8, $0xF8;
	v0 =	vld.idx.msk [tilespmem:v0+s25+$0x0], $0xffff  }
.Ltmp5:
0xc1: {  	_ = 	snop;
	(pc) =	sbr.rel @p1 .LBB2_9-.Ltmp5, $2  }
0xc2: {  	_ =	sdelay $0x2  }
0xc3: {  	s9 =	sadd.s32 $0x80, s9;
	[tilespmem:s10+$0x30] =	vst v0;
	s10 =	sadd.s32 $0x80, s10  }
.Ltmp6:
0xc4: {  	(pc) =	sbr.rel @p0 .LBB2_12-.Ltmp6, $4  }
0xc5: {  	_ = 	snop  }
0xc6: {  	s6 =	sadd.s32 s3, s6  }
0xc7: {  	s4 =	sadd.s32 s4, s6  }
0xc8: {  	[hbm4b:s4+s16] =	stream.strided.scatter [tilespmem:s26], [sflag:$0x3], $0x1000, s19, s16, $0x38;
	[tilespmem:$0x13000] =	vst v63  }
0xc9: {  	s0 =	sadd.s32 $0x6, s0  }
.Ltmp7:
0xca: {  	s4 =	sshll.u32 s0, $0x4;
	(pc) =	sbr.rel .LBB2_2-.Ltmp7, $4  }
0xcb: {  	s0 =	sshll.u32 s0, $0xB;
	s4 =	sand.u32 $0x60, s4  }
0xcc: {  	s0 =	sand.u32 $0xFFFC000, s0;
	s4 =	sadd.s32 s1, s4  }
0xcd: {  	s31 =	sadd.s32 $0x1, s31;
	s0 =	sadd.s32 s0, s4  }
0xce: {  	[tilespmem:s22], [sflag:$0x1] =	stream.strided.gather [hbm4b:s0+s16], $0x4000, s19, s16, $0x38;
	[tilespmem:$0x13000] =	vst v63  }
.LBB2_12:
0xcf: {  	_ =	swait.ge [sflag:s28], $0x1000  }
0xd0: {  	[sflag:s28] =	ssyncset.done $0x0  }
0xd1: {  	[sflag:s28] =	ssyncadd.s32 $0xFFFFF000  }
0xd2: {  	_ =	swait.ge [sflag:s29], $0x1000  }
0xd3: {  	[sflag:s29] =	ssyncset.done $0x0  }
0xd4: {  	[sflag:s29] =	ssyncadd.s32 $0xFFFFF000  }
0xd5: {  	[tilespmem:s20], [sflag:$0x1] =	stream.strided.gather [hbm4b:s12+s16], $0x4000, s19, s16, $0x38;
	[tilespmem:$0x13000] =	vst v63  }
0xd6: {  	_ = 	snop  }
0xd7: {  	[tilespmem:s21], [sflag:$0x1] =	stream.strided.gather [hbm4b:s13+s16], $0x4000, s19, s16, $0x38;
	[tilespmem:$0x13000] =	vst v63  }
0xd8: {  	s31 =	simm.s32 $0x0  }
0xd9: {  	[tilespmem:s22], [sflag:$0x1] =	stream.strided.gather [hbm4b:s14+s16], $0x4000, s19, s16, $0x38;
	[tilespmem:$0x13000] =	vst v63  }
.LBB2_13:
0xda: {  	_ =	swait.ge [sflag:s23], $0x4000  }
0xdb: {  	p0 =	seq.s32 s31, $0x0;
	[sflag:s23] =	ssyncset.done $0x0  }
0xdc: {  	s4 =	simm.s32 @!p0 $0x2;
	[sflag:s23] =	ssyncadd.s32 $0xFFFFC000  }
0xdd: {  	s0 =	sshll.u32 s31, $0x2;
	_ =	swait.ge @!p0 [sflag:s4], $0x1000  }
0xde: {  	s6 =	simm.s32 $0x40;
	s8 =	simm.s32 $0x11040;
	[sflag:s4] =	ssyncset.done @!p0 $0x0  }
0xdf: {  	s0 =	sadd.s32 s7, s0;
	[sflag:s4] =	ssyncadd.s32 @!p0 $0xFFFFF000;
	s4 =	simm.s32 $0xFFFFFFF8  }
.LBB2_14:
0xe0: {  	v0 =	vld [tilespmem:s6+$0xFFFFFFC0];
	_ =	sdelay $0x7  }
0xe1: {  	v0 =	vld.idx.msk [tilespmem:v0+s20+$0x0], $0xffff;
	_ =	sdelay $0x4  }
0xe2: {  	[tilespmem:s8+$0xFFFFFFC0] =	vst v0  }
0xe3: {  	v0 =	vld [tilespmem:s6+$0xFFFFFFD0];
	_ =	sdelay $0x7  }
0xe4: {  	v0 =	vld.idx.msk [tilespmem:v0+s20+$0x0], $0xffff;
	_ =	sdelay $0x4  }
0xe5: {  	[tilespmem:s8+$0xFFFFFFD0] =	vst v0  }
0xe6: {  	v0 =	vld [tilespmem:s6+$0xFFFFFFE0];
	_ =	sdelay $0x7  }
0xe7: {  	v0 =	vld.idx.msk [tilespmem:v0+s20+$0x0], $0xffff;
	_ =	sdelay $0x4  }
0xe8: {  	[tilespmem:s8+$0xFFFFFFE0] =	vst v0  }
0xe9: {  	v0 =	vld [tilespmem:s6+$0xFFFFFFF0];
	_ =	sdelay $0x7  }
0xea: {  	v0 =	vld.idx.msk [tilespmem:v0+s20+$0x0], $0xffff;
	_ =	sdelay $0x4  }
0xeb: {  	[tilespmem:s8+$0xFFFFFFF0] =	vst v0  }
0xec: {  	v0 =	vld [tilespmem:s6+$0x0];
	_ =	sdelay $0x7  }
0xed: {  	v0 =	vld.idx.msk [tilespmem:v0+s20+$0x0], $0xffff;
	_ =	sdelay $0x4  }
0xee: {  	[tilespmem:s8+$0x0] =	vst v0  }
0xef: {  	v0 =	vld [tilespmem:s6+$0x10];
	_ =	sdelay $0x7  }
0xf0: {  	v0 =	vld.idx.msk [tilespmem:v0+s20+$0x0], $0xffff;
	_ =	sdelay $0x4  }
0xf1: {  	[tilespmem:s8+$0x10] =	vst v0  }
0xf2: {  	v0 =	vld [tilespmem:s6+$0x20];
	_ =	sdelay $0x7  }
0xf3: {  	v0 =	vld.idx.msk [tilespmem:v0+s20+$0x0], $0xffff;
	_ =	sdelay $0x4  }
0xf4: {  	[tilespmem:s8+$0x20] =	vst v0  }
0xf5: {  	v0 =	vld [tilespmem:s6+$0x30];
	_ =	sdelay $0x6  }
0xf6: {  	s4 =	sadd.s32 $0x8, s4  }
0xf7: {  	p1 =	slt.u32 s4, $0xF8;
	v0 =	vld.idx.msk [tilespmem:v0+s20+$0x0], $0xffff  }
.Ltmp8:
0xf8: {  	_ = 	snop;
	(pc) =	sbr.rel @p1 .LBB2_14-.Ltmp8, $2  }
0xf9: {  	_ =	sdelay $0x2  }
0xfa: {  	s6 =	sadd.s32 $0x80, s6;
	[tilespmem:s8+$0x30] =	vst v0;
	s8 =	sadd.s32 $0x80, s8  }
0xfb: {  	s4 =	sshll.u32 s31, $0x6  }
0xfc: {  	s6 =	sshll.u32 s0, $0x9;
	s17 =	sand.u32 $0x40, s4  }
0xfd: {  	s4 =	sand.u32 $0xFFFF000, s6;
	s11 =	sadd.s32 s5, s17  }
0xfe: {  	s6 =	sadd.s32 s4, s11  }
0xff: {  	[hbm4b:s6+s16] =	stream.strided.scatter [tilespmem:s24], [sflag:$0x2], $0x1000, s19, s16, $0x38;
	[tilespmem:$0x13000] =	vst v63  }
0x100: {  	s8 =	sshll.u32 s0, $0xB;
	s6 =	sor.u32 $0x30, s17  }
0x101: {  	s8 =	sand.u32 $0xFFFC000, s8;
	s9 =	sadd.s32 s2, s6  }
0x102: {  	s8 =	sadd.s32 s8, s9  }
0x103: {  	[tilespmem:s25], [sflag:$0x1] =	stream.strided.gather [hbm4b:s8+s16], $0x4000, s19, s16, $0x38;
	[tilespmem:$0x13000] =	vst v63  }
0x104: {  	_ =	swait.ge [sflag:s23], $0x4000  }
0x105: {  	[sflag:s23] =	ssyncset.done $0x0  }
0x106: {  	s8 =	simm.s32 @!p0 $0x3;
	[sflag:s23] =	ssyncadd.s32 $0xFFFFC000  }
0x107: {  	_ =	swait.ge @!p0 [sflag:s8], $0x1000  }
0x108: {  	s10 =	simm.s32 $0x12040;
	[sflag:s8] =	ssyncset.done @!p0 $0x0  }
0x109: {  	s9 =	simm.s32 $0x40;
	[sflag:s8] =	ssyncadd.s32 @!p0 $0xFFFFF000;
	s8 =	simm.s32 $0xFFFFFFF8  }
.LBB2_16:
0x10a: {  	v0 =	vld [tilespmem:s9+$0xFFFFFFC0];
	_ =	sdelay $0x7  }
0x10b: {  	v0 =	vld.idx.msk [tilespmem:v0+s21+$0x0], $0xffff;
	_ =	sdelay $0x4  }
0x10c: {  	[tilespmem:s10+$0xFFFFFFC0] =	vst v0  }
0x10d: {  	v0 =	vld [tilespmem:s9+$0xFFFFFFD0];
	_ =	sdelay $0x7  }
0x10e: {  	v0 =	vld.idx.msk [tilespmem:v0+s21+$0x0], $0xffff;
	_ =	sdelay $0x4  }
0x10f: {  	[tilespmem:s10+$0xFFFFFFD0] =	vst v0  }
0x110: {  	v0 =	vld [tilespmem:s9+$0xFFFFFFE0];
	_ =	sdelay $0x7  }
0x111: {  	v0 =	vld.idx.msk [tilespmem:v0+s21+$0x0], $0xffff;
	_ =	sdelay $0x4  }
0x112: {  	[tilespmem:s10+$0xFFFFFFE0] =	vst v0  }
0x113: {  	v0 =	vld [tilespmem:s9+$0xFFFFFFF0];
	_ =	sdelay $0x7  }
0x114: {  	v0 =	vld.idx.msk [tilespmem:v0+s21+$0x0], $0xffff;
	_ =	sdelay $0x4  }
0x115: {  	[tilespmem:s10+$0xFFFFFFF0] =	vst v0  }
0x116: {  	v0 =	vld [tilespmem:s9+$0x0];
	_ =	sdelay $0x7  }
0x117: {  	v0 =	vld.idx.msk [tilespmem:v0+s21+$0x0], $0xffff;
	_ =	sdelay $0x4  }
0x118: {  	[tilespmem:s10+$0x0] =	vst v0  }
0x119: {  	v0 =	vld [tilespmem:s9+$0x10];
	_ =	sdelay $0x7  }
0x11a: {  	v0 =	vld.idx.msk [tilespmem:v0+s21+$0x0], $0xffff;
	_ =	sdelay $0x4  }
0x11b: {  	[tilespmem:s10+$0x10] =	vst v0  }
0x11c: {  	v0 =	vld [tilespmem:s9+$0x20];
	_ =	sdelay $0x7  }
0x11d: {  	v0 =	vld.idx.msk [tilespmem:v0+s21+$0x0], $0xffff;
	_ =	sdelay $0x4  }
0x11e: {  	[tilespmem:s10+$0x20] =	vst v0  }
0x11f: {  	v0 =	vld [tilespmem:s9+$0x30];
	_ =	sdelay $0x6  }
0x120: {  	s8 =	sadd.s32 $0x8, s8  }
0x121: {  	p0 =	slt.u32 s8, $0xF8;
	v0 =	vld.idx.msk [tilespmem:v0+s21+$0x0], $0xffff  }
.Ltmp9:
0x122: {  	_ = 	snop;
	(pc) =	sbr.rel @p0 .LBB2_16-.Ltmp9, $2  }
0x123: {  	_ =	sdelay $0x2  }
0x124: {  	s9 =	sadd.s32 $0x80, s9;
	[tilespmem:s10+$0x30] =	vst v0;
	s10 =	sadd.s32 $0x80, s10  }
0x125: {  	s8 =	sadd.s32 s17, s5  }
0x126: {  	s17 =	sadd.s32 s4, s8  }
0x127: {  	p0 =	seq.s32 s31, $0xB;
	s8 =	sadd.s32 $0x10, s17  }
0x128: {  	[hbm4b:s8+s16] =	stream.strided.scatter [tilespmem:s26], [sflag:$0x3], $0x1000, s19, s16, $0x38;
	[tilespmem:$0x13000] =	vst v63  }
0x129: {  	s8 =	sadd.s32 @!p0 $0x4, s0  }
0x12a: {  	s9 =	sshll.u32 @!p0 s8, $0x4  }
0x12b: {  	s8 =	sshll.u32 @!p0 s8, $0xB;
	s9 =	sand.u32 @!p0 $0x40, s9  }
0x12c: {  	s10 =	simm.s32 @!p0 $0x400;
	s8 =	sand.u32 @!p0 $0xFFFC000, s8;
	s9 =	sadd.s32 @!p0 s2, s9  }
0x12d: {  	s11 =	simm.s32 @!p0 $0x1000;
	s8 =	sadd.s32 @!p0 s8, s9;
	s9 =	simm.s32 @!p0 $0x80  }
0x12e: {  	[tilespmem:s11], [sflag:$0x1] =	stream.strided.gather @!p0 [hbm4b:s8+s9], $0x4000, s10, s9, $0x38;
	[tilespmem:$0x13000] =	vst v63  }
0x12f: {  	_ =	swait.ge [sflag:s23], $0x4000  }
0x130: {  	[sflag:s23] =	ssyncset.done $0x0  }
0x131: {  	[sflag:s23] =	ssyncadd.s32 $0xFFFFC000  }
0x132: {  	_ =	swait.ge [sflag:s28], $0x1000  }
0x133: {  	s8 =	simm.s32 $0xFFFFFFF8;
	[sflag:s28] =	ssyncset.done $0x0  }
0x134: {  	s9 =	simm.s32 $0x40;
	s10 =	simm.s32 $0x11040;
	[sflag:s28] =	ssyncadd.s32 $0xFFFFF000  }
.LBB2_18:
0x135: {  	v0 =	vld [tilespmem:s9+$0xFFFFFFC0];
	_ =	sdelay $0x7  }
0x136: {  	v0 =	vld.idx.msk [tilespmem:v0+s22+$0x0], $0xffff;
	_ =	sdelay $0x4  }
0x137: {  	[tilespmem:s10+$0xFFFFFFC0] =	vst v0  }
0x138: {  	v0 =	vld [tilespmem:s9+$0xFFFFFFD0];
	_ =	sdelay $0x7  }
0x139: {  	v0 =	vld.idx.msk [tilespmem:v0+s22+$0x0], $0xffff;
	_ =	sdelay $0x4  }
0x13a: {  	[tilespmem:s10+$0xFFFFFFD0] =	vst v0  }
0x13b: {  	v0 =	vld [tilespmem:s9+$0xFFFFFFE0];
	_ =	sdelay $0x7  }
0x13c: {  	v0 =	vld.idx.msk [tilespmem:v0+s22+$0x0], $0xffff;
	_ =	sdelay $0x4  }
0x13d: {  	[tilespmem:s10+$0xFFFFFFE0] =	vst v0  }
0x13e: {  	v0 =	vld [tilespmem:s9+$0xFFFFFFF0];
	_ =	sdelay $0x7  }
0x13f: {  	v0 =	vld.idx.msk [tilespmem:v0+s22+$0x0], $0xffff;
	_ =	sdelay $0x4  }
0x140: {  	[tilespmem:s10+$0xFFFFFFF0] =	vst v0  }
0x141: {  	v0 =	vld [tilespmem:s9+$0x0];
	_ =	sdelay $0x7  }
0x142: {  	v0 =	vld.idx.msk [tilespmem:v0+s22+$0x0], $0xffff;
	_ =	sdelay $0x4  }
0x143: {  	[tilespmem:s10+$0x0] =	vst v0  }
0x144: {  	v0 =	vld [tilespmem:s9+$0x10];
	_ =	sdelay $0x7  }
0x145: {  	v0 =	vld.idx.msk [tilespmem:v0+s22+$0x0], $0xffff;
	_ =	sdelay $0x4  }
0x146: {  	[tilespmem:s10+$0x10] =	vst v0  }
0x147: {  	v0 =	vld [tilespmem:s9+$0x20];
	_ =	sdelay $0x7  }
0x148: {  	v0 =	vld.idx.msk [tilespmem:v0+s22+$0x0], $0xffff;
	_ =	sdelay $0x4  }
0x149: {  	[tilespmem:s10+$0x20] =	vst v0  }
0x14a: {  	v0 =	vld [tilespmem:s9+$0x30];
	_ =	sdelay $0x6  }
0x14b: {  	s8 =	sadd.s32 $0x8, s8  }
0x14c: {  	p1 =	slt.u32 s8, $0xF8;
	v0 =	vld.idx.msk [tilespmem:v0+s22+$0x0], $0xffff  }
.Ltmp10:
0x14d: {  	_ = 	snop;
	(pc) =	sbr.rel @p1 .LBB2_18-.Ltmp10, $2  }
0x14e: {  	_ =	sdelay $0x2  }
0x14f: {  	s9 =	sadd.s32 $0x80, s9;
	[tilespmem:s10+$0x30] =	vst v0;
	s10 =	sadd.s32 $0x80, s10  }
0x150: {  	s8 =	sadd.s32 $0x20, s17  }
0x151: {  	[hbm4b:s8+s16] =	stream.strided.scatter [tilespmem:s24], [sflag:$0x2], $0x1000, s19, s16, $0x38;
	[tilespmem:$0x13000] =	vst v63  }
0x152: {  	s8 =	sadd.s32 @!p0 $0x5, s0  }
0x153: {  	s9 =	sshll.u32 @!p0 s8, $0x4  }
0x154: {  	s8 =	sshll.u32 @!p0 s8, $0xB;
	s9 =	sand.u32 @!p0 $0x50, s9  }
0x155: {  	s10 =	simm.s32 @!p0 $0x400;
	s8 =	sand.u32 @!p0 $0xFFFC000, s8;
	s9 =	sadd.s32 @!p0 s2, s9  }
0x156: {  	s11 =	simm.s32 @!p0 $0x5000;
	s8 =	sadd.s32 @!p0 s8, s9;
	s9 =	simm.s32 @!p0 $0x80  }
0x157: {  	[tilespmem:s11], [sflag:$0x1] =	stream.strided.gather @!p0 [hbm4b:s8+s9], $0x4000, s10, s9, $0x38;
	[tilespmem:$0x13000] =	vst v63  }
0x158: {  	_ =	swait.ge [sflag:s23], $0x4000  }
0x159: {  	[sflag:s23] =	ssyncset.done $0x0  }
0x15a: {  	[sflag:s23] =	ssyncadd.s32 $0xFFFFC000  }
0x15b: {  	_ =	swait.ge [sflag:s29], $0x1000  }
0x15c: {  	s8 =	simm.s32 $0xFFFFFFF8;
	[sflag:s29] =	ssyncset.done $0x0  }
0x15d: {  	s9 =	simm.s32 $0x40;
	s10 =	simm.s32 $0x12040;
	[sflag:s29] =	ssyncadd.s32 $0xFFFFF000  }
.LBB2_20:
0x15e: {  	v0 =	vld [tilespmem:s9+$0xFFFFFFC0];
	_ =	sdelay $0x7  }
0x15f: {  	v0 =	vld.idx.msk [tilespmem:v0+s25+$0x0], $0xffff;
	_ =	sdelay $0x4  }
0x160: {  	[tilespmem:s10+$0xFFFFFFC0] =	vst v0  }
0x161: {  	v0 =	vld [tilespmem:s9+$0xFFFFFFD0];
	_ =	sdelay $0x7  }
0x162: {  	v0 =	vld.idx.msk [tilespmem:v0+s25+$0x0], $0xffff;
	_ =	sdelay $0x4  }
0x163: {  	[tilespmem:s10+$0xFFFFFFD0] =	vst v0  }
0x164: {  	v0 =	vld [tilespmem:s9+$0xFFFFFFE0];
	_ =	sdelay $0x7  }
0x165: {  	v0 =	vld.idx.msk [tilespmem:v0+s25+$0x0], $0xffff;
	_ =	sdelay $0x4  }
0x166: {  	[tilespmem:s10+$0xFFFFFFE0] =	vst v0  }
0x167: {  	v0 =	vld [tilespmem:s9+$0xFFFFFFF0];
	_ =	sdelay $0x7  }
0x168: {  	v0 =	vld.idx.msk [tilespmem:v0+s25+$0x0], $0xffff;
	_ =	sdelay $0x4  }
0x169: {  	[tilespmem:s10+$0xFFFFFFF0] =	vst v0  }
0x16a: {  	v0 =	vld [tilespmem:s9+$0x0];
	_ =	sdelay $0x7  }
0x16b: {  	v0 =	vld.idx.msk [tilespmem:v0+s25+$0x0], $0xffff;
	_ =	sdelay $0x4  }
0x16c: {  	[tilespmem:s10+$0x0] =	vst v0  }
0x16d: {  	v0 =	vld [tilespmem:s9+$0x10];
	_ =	sdelay $0x7  }
0x16e: {  	v0 =	vld.idx.msk [tilespmem:v0+s25+$0x0], $0xffff;
	_ =	sdelay $0x4  }
0x16f: {  	[tilespmem:s10+$0x10] =	vst v0  }
0x170: {  	v0 =	vld [tilespmem:s9+$0x20];
	_ =	sdelay $0x7  }
0x171: {  	v0 =	vld.idx.msk [tilespmem:v0+s25+$0x0], $0xffff;
	_ =	sdelay $0x4  }
0x172: {  	[tilespmem:s10+$0x20] =	vst v0  }
0x173: {  	v0 =	vld [tilespmem:s9+$0x30];
	_ =	sdelay $0x6  }
0x174: {  	s8 =	sadd.s32 $0x8, s8  }
0x175: {  	p1 =	slt.u32 s8, $0xF8;
	v0 =	vld.idx.msk [tilespmem:v0+s25+$0x0], $0xffff  }
.Ltmp11:
0x176: {  	_ = 	snop;
	(pc) =	sbr.rel @p1 .LBB2_20-.Ltmp11, $2  }
0x177: {  	_ =	sdelay $0x2  }
0x178: {  	s9 =	sadd.s32 $0x80, s9;
	[tilespmem:s10+$0x30] =	vst v0;
	s10 =	sadd.s32 $0x80, s10  }
.Ltmp12:
0x179: {  	(pc) =	sbr.rel @p0 .LBB2_23-.Ltmp12, $4  }
0x17a: {  	_ = 	snop  }
0x17b: {  	s6 =	sadd.s32 s5, s6  }
0x17c: {  	s4 =	sadd.s32 s4, s6  }
0x17d: {  	[hbm4b:s4+s16] =	stream.strided.scatter [tilespmem:s26], [sflag:$0x3], $0x1000, s19, s16, $0x38;
	[tilespmem:$0x13000] =	vst v63  }
0x17e: {  	s0 =	sadd.s32 $0x6, s0  }
.Ltmp13:
0x17f: {  	s4 =	sshll.u32 s0, $0x4;
	(pc) =	sbr.rel .LBB2_13-.Ltmp13, $4  }
0x180: {  	s0 =	sshll.u32 s0, $0xB;
	s4 =	sand.u32 $0x60, s4  }
0x181: {  	s0 =	sand.u32 $0xFFFC000, s0;
	s4 =	sadd.s32 s2, s4  }
0x182: {  	s31 =	sadd.s32 $0x1, s31;
	s0 =	sadd.s32 s0, s4  }
0x183: {  	[tilespmem:s22], [sflag:$0x1] =	stream.strided.gather [hbm4b:s0+s16], $0x4000, s19, s16, $0x38;
	[tilespmem:$0x13000] =	vst v63  }
.LBB2_24:
0x184: {  	_ =	sfence.sel $0x180000  }
0x185: {  	[bflag:$0x0] =	sbarrier.arrive $0xFFFF  }
0x186: {  	_ =	strace $0x90000047  }
0x187: {  	s0 =	stileid.u32;
	[bflag:$0x2] =	sbarrier.arrive $0xFFFF  }
0x188: {  	p0 =	sne.s32 s0, $0x0;
	s0 =	rddreg [dreg:$0x5]  }
0x189: {  	s0 =	sadd.s32 @!p0 $0x100000, s0  }
0x18a: {  	[sflag:s0] =	ssyncadd.tile.s32 @!p0 $0x1;
	_ =	shalt  }
.Lfunc_end2:
_tile_overlayer_lowered:
.L_overlay_start_2:
0x18b: {  	(tag) =	ssettag $0x2  }
0x18c: {  	s0 =	rddreg [dreg:$0x0];
	s2 =	stileid.u32  }
0x18d: {  	s1 =	rddreg [dreg:$0x1];
	p0 =	sne.s32 s2, $0x0  }
0x18e: {  	s3 =	rddreg [dreg:$0x2];
	[bflag:$0x3] =	sbarrier.arrive $0xFFFF;
	s2 =	simm.s32 @!p0 $0x1C04  }
0x18f: {  	[timem:s3], [sflag:s2] =	dma.local @!p0 [hbm:s0], s1  }
0x190: {  	s0 =	simm.s32 @!p0 $0x4  }
0x191: {  	_ =	swait.ge @!p0 [sflag:s0], s1  }
0x192: {  	s1 =	ssub.s32 @!p0 $0x0, s1;
	[sflag:s0] =	ssyncset.done @!p0 $0x0  }
0x193: {  	[sflag:s0] =	ssyncadd.s32 @!p0 s1  }
0x194: {  	[bflag:$0x3] =	sbarrier.arrive $0xFFFF  }
0x195: {  	_ =	shalt  }

</sc_bundles>
